<compile_context>
chip_gen: v7x
topology: tpu7x:2x2x1
jax: 0.10.2.dev20260603
libtpu: 0.0.44.dev20260713+nightly
codegen_flags: <defaults>
</compile_context>

<pallas_src>
import jax
import jax.numpy as jnp
from jax import lax
from jax.experimental import pallas as pl
from jax.experimental.pallas import tpu as pltpu
from jax.experimental.pallas import tpu_sc as plsc

N_NODES = 10000
N_EDGES = 320000
D_IN = 128
D_OUT = 256

NC = 2
NS = 16
NW = NC * NS
E_PER_W = N_EDGES // NW
CHUNK = 80
N_CHUNKS = E_PER_W // CHUNK
N_PAD = 10240
ROWS_PER_TILE = N_PAD // NS
ZROWS = 128


DEG_W = 128


def _fill_16lane(ref, nrow, ncol, value):
    nv = ncol // 16
    def row(r, _):
        def col(j, _):
            ref[r, pl.ds(j * 16, 16)] = jnp.full((16,), value, jnp.float32)
            return 0
        return lax.fori_loop(0, nv, col, 0)
    lax.fori_loop(0, nrow, row, 0)


def _sc_body(src_hbm, dst_hbm, x_hbm, agg_out,
             sidx, didx, rows, agg_sh, sem_g, sem_s):
    c = lax.axis_index("c")
    s = lax.axis_index("s")
    wid = c * NS + s
    tile_base = wid * E_PER_W

    _fill_16lane(rows[0], CHUNK, D_IN, 0.0)
    base_row = s * ROWS_PER_TILE
    for k in range(ROWS_PER_TILE // CHUNK):
        pltpu.sync_copy(rows[0], agg_sh.at[pl.ds(base_row + k * CHUNK, CHUNK)])
    plsc.subcore_barrier()

    def start_gather(j, chunk_i):
        pltpu.sync_copy(src_hbm.at[pl.ds(tile_base + chunk_i * CHUNK, CHUNK)],
                        sidx[j])
        pltpu.async_copy(x_hbm.at[sidx[j]], rows[j], sem_g[j])

    def start_scatter(j, chunk_i):
        pltpu.make_async_copy(x_hbm.at[sidx[j]], rows[j], sem_g[j]).wait()
        pltpu.sync_copy(dst_hbm.at[pl.ds(tile_base + chunk_i * CHUNK, CHUNK)],
                        didx[j])
        pltpu.async_copy(rows[j], agg_sh.at[didx[j]], sem_s[j], add=True)

    def wait_scatter(j):
        pltpu.make_async_copy(rows[j], agg_sh.at[didx[j]], sem_s[j]).wait()

    start_gather(0, 0)
    start_gather(1, 1)

    def step(k, _):
        @pl.when(k % 2 == 1)
        def _():
            @pl.when(k >= 3)
            def _():
                wait_scatter(2)
                wait_scatter(3)
            start_gather(2, 2 * k)
            start_gather(3, 2 * k + 1)
            start_scatter(0, 2 * k - 2)
            start_scatter(1, 2 * k - 1)

        @pl.when(k % 2 == 0)
        def _():
            @pl.when(k >= 2)
            def _():
                wait_scatter(0)
                wait_scatter(1)
            start_gather(0, 2 * k)
            start_gather(1, 2 * k + 1)
            start_scatter(2, 2 * k - 2)
            start_scatter(3, 2 * k - 1)
        return 0

    lax.fori_loop(1, 62, step, 0)
    start_scatter(2, 122)
    start_scatter(3, 123)
    wait_scatter(0)
    start_gather(0, 124)
    start_scatter(0, 124)
    wait_scatter(0)
    wait_scatter(1)
    wait_scatter(2)
    wait_scatter(3)
    plsc.subcore_barrier()

    pltpu.sync_copy(agg_sh.at[pl.ds(base_row, ROWS_PER_TILE)],
                    agg_out.at[c, pl.ds(base_row, ROWS_PER_TILE)])


def _sc_aggregate(src, dst, x):
    mesh = plsc.VectorSubcoreMesh(core_axis_name="c", subcore_axis_name="s")
    return pl.kernel(
        _sc_body,
        out_type=jax.ShapeDtypeStruct((NC, N_PAD, D_IN), jnp.float32),
        mesh=mesh,
        scratch_types=[
            [pltpu.VMEM((CHUNK,), jnp.int32)] * 4,
            [pltpu.VMEM((CHUNK,), jnp.int32)] * 4,
            [pltpu.VMEM((CHUNK, D_IN), jnp.float32)] * 4,
            pltpu.VMEM_SHARED((N_PAD, D_IN), jnp.float32),
            [pltpu.SemaphoreType.DMA] * 4,
            [pltpu.SemaphoreType.DMA] * 4,
        ],
        name="sc_edge_aggregate",
    )(src, dst, x)


def _sc_deg_body(dst_hbm, deg_out, didx_v, didx2_v, ones_v, zdeg_v, deg_sh,
                 sem0, sem1):
    c = lax.axis_index("c")
    s = lax.axis_index("s")
    wid = c * NS + s

    _fill_16lane(ones_v, CHUNK, DEG_W, 1.0)
    _fill_16lane(zdeg_v, ZROWS, DEG_W, 0.0)

    base_row = s * ROWS_PER_TILE
    for k in range(ROWS_PER_TILE // ZROWS):
        pltpu.sync_copy(zdeg_v, deg_sh.at[pl.ds(base_row + k * ZROWS, ZROWS)])
    plsc.subcore_barrier()

    tile_base = wid * E_PER_W
    pltpu.sync_copy(dst_hbm.at[pl.ds(tile_base, CHUNK)], didx_v)
    pltpu.async_copy(ones_v, deg_sh.at[didx_v], sem0, add=True)

    def pair(k, _):
        base_b = tile_base + (2 * k + 1) * CHUNK

        @pl.when(k > 0)
        def _():
            pltpu.make_async_copy(ones_v, deg_sh.at[didx2_v], sem1).wait()
        pltpu.sync_copy(dst_hbm.at[pl.ds(base_b, CHUNK)], didx2_v)
        pltpu.async_copy(ones_v, deg_sh.at[didx2_v], sem1, add=True)

        pltpu.make_async_copy(ones_v, deg_sh.at[didx_v], sem0).wait()
        pltpu.sync_copy(dst_hbm.at[pl.ds(base_b + CHUNK, CHUNK)], didx_v)
        pltpu.async_copy(ones_v, deg_sh.at[didx_v], sem0, add=True)
        return 0

    lax.fori_loop(0, (N_CHUNKS - 1) // 2, pair, 0)
    pltpu.make_async_copy(ones_v, deg_sh.at[didx2_v], sem1).wait()
    pltpu.make_async_copy(ones_v, deg_sh.at[didx_v], sem0).wait()
    plsc.subcore_barrier()

    pltpu.sync_copy(deg_sh.at[pl.ds(base_row, ROWS_PER_TILE)],
                    deg_out.at[c, pl.ds(base_row, ROWS_PER_TILE)])


def _sc_degree(dst):
    mesh = plsc.VectorSubcoreMesh(core_axis_name="c", subcore_axis_name="s")
    return pl.kernel(
        _sc_deg_body,
        out_type=jax.ShapeDtypeStruct((NC, N_PAD, DEG_W), jnp.float32),
        mesh=mesh,
        scratch_types=[
            pltpu.VMEM((CHUNK,), jnp.int32),
            pltpu.VMEM((CHUNK,), jnp.int32),
            pltpu.VMEM((CHUNK, DEG_W), jnp.float32),
            pltpu.VMEM((ZROWS, DEG_W), jnp.float32),
            pltpu.VMEM_SHARED((N_PAD, DEG_W), jnp.float32),
            pltpu.SemaphoreType.DMA,
            pltpu.SemaphoreType.DMA,
        ],
        name="sc_degree",
    )(dst)


def _tc_body(x_ref, agg_ref, deg_ref, wc_ref, wp_ref, out_ref):
    aggs = agg_ref[0] + agg_ref[1]
    deg = deg_ref[0] + deg_ref[1]
    inv = 1.0 / jnp.maximum(deg, 1.0)
    h = jnp.dot(aggs * inv, wc_ref[...],
                preferred_element_type=jnp.float32)
    out_ref[...] = h + jnp.dot(x_ref[...], wp_ref[...],
                               preferred_element_type=jnp.float32)


def _tc_combine(x, agg_part, deg_part, W_conv, W_proj):
    blk = 1024
    grid = (N_PAD // blk,)
    return pl.pallas_call(
        _tc_body,
        grid=grid,
        in_specs=[
            pl.BlockSpec((blk, D_IN), lambda i: (i, 0)),
            pl.BlockSpec((NC, blk, D_IN), lambda i: (0, i, 0)),
            pl.BlockSpec((NC, blk, DEG_W), lambda i: (0, i, 0)),
            pl.BlockSpec((D_IN, D_OUT), lambda i: (0, 0)),
            pl.BlockSpec((D_IN, D_OUT), lambda i: (0, 0)),
        ],
        out_specs=pl.BlockSpec((blk, D_OUT), lambda i: (i, 0)),
        out_shape=jax.ShapeDtypeStruct((N_NODES, D_OUT), jnp.float32),
    )(x, agg_part, deg_part, W_conv, W_proj)


@jax.jit
def kernel(x, edge_index, W_conv, W_proj):
    agg_part = _sc_aggregate(edge_index[0], edge_index[1], x)
    deg_part = _sc_degree(edge_index[1])
    return _tc_combine(x, agg_part, deg_part, W_conv, W_proj)

# --- scband reference (transcript-rebuilt; emitter-appended) ---
"""Pipeline reference for scband-residual-block-31344671326394 (READ-ONLY COPY).

The authoritative reference and input builder live on the scoring server;
editing this copy changes nothing except your own understanding.
"""

import jax, jax.numpy as jnp
import numpy as np

N_NODES = 10000
N_EDGES = 320000
D_IN = 128
D_OUT = 256


def setup_inputs(seed: int = 0) -> dict:
    key = jax.random.key(seed)
    k1, k2, k3, k4 = jax.random.split(key, 4)
    x = jax.random.normal(k1, (N_NODES, D_IN), dtype=jnp.float32)
    edge_index = jax.random.randint(k2, (2, N_EDGES), 0, N_NODES, dtype=jnp.int32)
    # conv weight (GCN-style mean-aggregation convolution, in_channels=128 -> out_channels=256)
    W_conv = jax.random.normal(k3, (D_IN, D_OUT), dtype=jnp.float32) * 0.05
    # residual input projection (nn.Linear(128, 256, bias=False))
    W_proj = jax.random.normal(k4, (D_IN, D_OUT), dtype=jnp.float32) * 0.05
    return {"x": x, "edge_index": edge_index, "W_conv": W_conv, "W_proj": W_proj}


def reference(x, edge_index, W_conv, W_proj):
    # --- conv(x, edge_index): mean-aggregation graph convolution ---
    src = edge_index[0]
    dst = edge_index[1]
    msgs = jnp.take(x, src, axis=0)                         # gather  [E, D_IN]
    agg = jax.ops.segment_sum(msgs, dst, num_segments=N_NODES)  # scatter-add [N, D_IN]
    deg = jax.ops.segment_sum(jnp.ones((N_EDGES,), dtype=x.dtype), dst, num_segments=N_NODES)
    agg = agg / jnp.maximum(deg, 1.0)[:, None]
    h = agg @ W_conv                                         # [N, D_OUT]
    # --- residual input projection (input_dim != output_dim) ---
    x_proj = x @ W_proj                                      # [N, D_OUT]
    # --- residual connection ---
    return x_proj + h

if __name__ == "__main__":
    import jax
    _d = setup_inputs()
    print(jax.jit(kernel)(*tuple(_d.values())))

</pallas_src>

<mosaic_0001>
#map = affine_map<(d0, d1) -> (0)>
#map1 = affine_map<(d0, d1) -> (0, 0, 0)>
module attributes {stable_mosaic.version = 14 : i64} {
  func.func @sc_degree(%arg0: i32, %arg1: i32, %arg2: memref<320000xi32, #tpu.memory_space<hbm>>, %arg3: memref<2x10240x128xf32, #tpu.memory_space<hbm>>, %arg4: memref<80xi32, #tpu.memory_space<vmem>>, %arg5: memref<80xi32, #tpu.memory_space<vmem>>, %arg6: memref<80x128xf32, #tpu.memory_space<vmem>>, %arg7: memref<128x128xf32, #tpu.memory_space<vmem>>, %arg8: memref<10240x128xf32, #tpu.memory_space<vmem_shared>>, %arg9: memref<!tpu.dma_semaphore, #tpu.memory_space<semaphore_mem>>, %arg10: memref<!tpu.dma_semaphore, #tpu.memory_space<semaphore_mem>>) attributes {dimension_semantics = [#tpu.dimension_semantics<core_parallel>, #tpu.dimension_semantics<subcore_parallel>], iteration_bounds = array<i64: 2, 16>, scalar_prefetch = 0 : i64, scratch_operands = 7 : i64, tpu.core_type = #tpu.core_type<sc_vector_subcore>, window_params = [{transform_indices = #map}, {transform_indices = #map1}]} {
    %mul3A = arith.constant 16 : i32
    %mul3A_0 = arith.muli %arg0, %mul3A : i32
    %add3A = arith.addi %mul3A_0, %arg1 : i32
    %scan3A = arith.constant 0 : i32
    %scan3A_1 = arith.constant 0 : i32
    %scan3A_2 = arith.constant 80 : i32
    %scan3A_3 = arith.addi %scan3A_1, %scan3A_2 : i32
    %scan3A_4 = arith.constant 1 : i32
    %scan3A_5 = scf.for %scan3A_43 = %scan3A_1 to %scan3A_3 step %scan3A_4 iter_args(%scan3A_44 = %scan3A) -> (i32)  : i32 {
      %scan3A_45 = arith.constant 0 : i32
      %scan3A_46 = arith.constant 0 : i32
      %scan3A_47 = arith.constant 8 : i32
      %scan3A_48 = arith.addi %scan3A_46, %scan3A_47 : i32
      %scan3A_49 = arith.constant 1 : i32
      %scan3A_50 = scf.for %scan3A_52 = %scan3A_46 to %scan3A_48 step %scan3A_49 iter_args(%scan3A_53 = %scan3A_45) -> (i32)  : i32 {
        %broadcast_in_dim3A = arith.constant 1.000000e+00 : f32
        %broadcast_in_dim3A_54 = vector.broadcast %broadcast_in_dim3A : f32 to vector<16xf32>
        %mul3A_55 = arith.constant 16 : i32
        %mul3A_56 = arith.muli %scan3A_52, %mul3A_55 : i32
        %swap3A = arith.index_cast %scan3A_43 : i32 to index
        %swap3A_57 = arith.index_cast %mul3A_56 : i32 to index
        %swap3A_58 = tpu.vector_load %arg6[%swap3A, %swap3A_57] {strides = array<i32>} : memref<80x128xf32, #tpu.memory_space<vmem>>, vector<1x16xf32>,
        %swap3A_59 = vector.shape_cast %swap3A_58 : vector<1x16xf32> to vector<16xf32>
        %swap3A_60 = vector.shape_cast %broadcast_in_dim3A_54 : vector<16xf32> to vector<1x16xf32>
        tpu.vector_store %arg6[%swap3A, %swap3A_57], %swap3A_60 {strides = array<i32>} : memref<80x128xf32, #tpu.memory_space<vmem>>, vector<1x16xf32>,
        %scan3A_61 = arith.constant 0 : i32
        scf.yield %scan3A_61 : i32
      }
      %scan3A_51 = arith.constant 8 : i32
      scf.yield %scan3A_50 : i32
    }
    %scan3A_6 = arith.constant 80 : i32
    %scan3A_7 = arith.constant 0 : i32
    %scan3A_8 = arith.constant 0 : i32
    %scan3A_9 = arith.constant 128 : i32
    %scan3A_10 = arith.addi %scan3A_8, %scan3A_9 : i32
    %scan3A_11 = arith.constant 1 : i32
    %scan3A_12 = scf.for %scan3A_43 = %scan3A_8 to %scan3A_10 step %scan3A_11 iter_args(%scan3A_44 = %scan3A_7) -> (i32)  : i32 {
      %scan3A_45 = arith.constant 0 : i32
      %scan3A_46 = arith.constant 0 : i32
      %scan3A_47 = arith.constant 8 : i32
      %scan3A_48 = arith.addi %scan3A_46, %scan3A_47 : i32
      %scan3A_49 = arith.constant 1 : i32
      %scan3A_50 = scf.for %scan3A_52 = %scan3A_46 to %scan3A_48 step %scan3A_49 iter_args(%scan3A_53 = %scan3A_45) -> (i32)  : i32 {
        %broadcast_in_dim3A = arith.constant 0.000000e+00 : f32
        %broadcast_in_dim3A_54 = vector.broadcast %broadcast_in_dim3A : f32 to vector<16xf32>
        %mul3A_55 = arith.constant 16 : i32
        %mul3A_56 = arith.muli %scan3A_52, %mul3A_55 : i32
        %swap3A = arith.index_cast %scan3A_43 : i32 to index
        %swap3A_57 = arith.index_cast %mul3A_56 : i32 to index
        %swap3A_58 = tpu.vector_load %arg7[%swap3A, %swap3A_57] {strides = array<i32>} : memref<128x128xf32, #tpu.memory_space<vmem>>, vector<1x16xf32>,
        %swap3A_59 = vector.shape_cast %swap3A_58 : vector<1x16xf32> to vector<16xf32>
        %swap3A_60 = vector.shape_cast %broadcast_in_dim3A_54 : vector<16xf32> to vector<1x16xf32>
        tpu.vector_store %arg7[%swap3A, %swap3A_57], %swap3A_60 {strides = array<i32>} : memref<128x128xf32, #tpu.memory_space<vmem>>, vector<1x16xf32>,
        %scan3A_61 = arith.constant 0 : i32
        scf.yield %scan3A_61 : i32
      }
      %scan3A_51 = arith.constant 8 : i32
      scf.yield %scan3A_50 : i32
    }
    %scan3A_13 = arith.constant 128 : i32
    %mul3A_14 = arith.constant 640 : i32
    %mul3A_15 = arith.muli %arg1, %mul3A_14 : i32
    %add3A_16 = arith.constant 0 : i32
    %add3A_17 = arith.addi %mul3A_15, %add3A_16 : i32
    "tpu.region"() ({
      %run_scoped3A = tpu.sem_alloc : memref<!tpu.dma_semaphore, #tpu.memory_space<semaphore_mem>>
      %dma_start3A_43 = arith.constant 0 : i32
      %dma_start3A_44 = tpu.memref_slice %arg8[%add3A_17, %dma_start3A_43] : memref<10240x128xf32, #tpu.memory_space<vmem_shared>> -> memref<128x128xf32, #tpu.memory_space<vmem_shared>>
      %dma_start3A_45 = arith.constant 0 : i32
      %dma_start3A_46 = tpu.memref_slice %arg8[%add3A_17, %dma_start3A_45] : memref<10240x128xf32, #tpu.memory_space<vmem_shared>> -> memref<128x128xf32, #tpu.memory_space<vmem_shared>>
      tpu.enqueue_dma source(%arg7 : memref<128x128xf32, #tpu.memory_space<vmem>>) target(%dma_start3A_46 : memref<128x128xf32, #tpu.memory_space<vmem_shared>>) target_semaphore(%run_scoped3A : memref<!tpu.dma_semaphore, #tpu.memory_space<semaphore_mem>>)
      %dma_wait3A_47 = arith.constant 0 : i32
      %dma_wait3A_48 = tpu.memref_slice %arg8[%add3A_17, %dma_wait3A_47] : memref<10240x128xf32, #tpu.memory_space<vmem_shared>> -> memref<128x128xf32, #tpu.memory_space<vmem_shared>>
      %dma_wait3A_49 = arith.constant 0 : i32
      %dma_wait3A_50 = tpu.memref_slice %arg8[%add3A_17, %dma_wait3A_49] : memref<10240x128xf32, #tpu.memory_space<vmem_shared>> -> memref<128x128xf32, #tpu.memory_space<vmem_shared>>
      tpu.wait_dma2 semaphore(%run_scoped3A : memref<!tpu.dma_semaphore, #tpu.memory_space<semaphore_mem>>) src(%arg7 : memref<128x128xf32, #tpu.memory_space<vmem>>) dst(%dma_wait3A_50 : memref<128x128xf32, #tpu.memory_space<vmem_shared>>)
      tpu.yield
    }) : () -> ()
    %add3A_18 = arith.constant 128 : i32
    %add3A_19 = arith.addi %mul3A_15, %add3A_18 : i32
    "tpu.region"() ({
      %run_scoped3A = tpu.sem_alloc : memref<!tpu.dma_semaphore, #tpu.memory_space<semaphore_mem>>
      %dma_start3A_43 = arith.constant 0 : i32
      %dma_start3A_44 = tpu.memref_slice %arg8[%add3A_19, %dma_start3A_43] : memref<10240x128xf32, #tpu.memory_space<vmem_shared>> -> memref<128x128xf32, #tpu.memory_space<vmem_shared>>
      %dma_start3A_45 = arith.constant 0 : i32
      %dma_start3A_46 = tpu.memref_slice %arg8[%add3A_19, %dma_start3A_45] : memref<10240x128xf32, #tpu.memory_space<vmem_shared>> -> memref<128x128xf32, #tpu.memory_space<vmem_shared>>
      tpu.enqueue_dma source(%arg7 : memref<128x128xf32, #tpu.memory_space<vmem>>) target(%dma_start3A_46 : memref<128x128xf32, #tpu.memory_space<vmem_shared>>) target_semaphore(%run_scoped3A : memref<!tpu.dma_semaphore, #tpu.memory_space<semaphore_mem>>)
      %dma_wait3A_47 = arith.constant 0 : i32
      %dma_wait3A_48 = tpu.memref_slice %arg8[%add3A_19, %dma_wait3A_47] : memref<10240x128xf32, #tpu.memory_space<vmem_shared>> -> memref<128x128xf32, #tpu.memory_space<vmem_shared>>
      %dma_wait3A_49 = arith.constant 0 : i32
      %dma_wait3A_50 = tpu.memref_slice %arg8[%add3A_19, %dma_wait3A_49] : memref<10240x128xf32, #tpu.memory_space<vmem_shared>> -> memref<128x128xf32, #tpu.memory_space<vmem_shared>>
      tpu.wait_dma2 semaphore(%run_scoped3A : memref<!tpu.dma_semaphore, #tpu.memory_space<semaphore_mem>>) src(%arg7 : memref<128x128xf32, #tpu.memory_space<vmem>>) dst(%dma_wait3A_50 : memref<128x128xf32, #tpu.memory_space<vmem_shared>>)
      tpu.yield
    }) : () -> ()
    %add3A_20 = arith.constant 256 : i32
    %add3A_21 = arith.addi %mul3A_15, %add3A_20 : i32
    "tpu.region"() ({
      %run_scoped3A = tpu.sem_alloc : memref<!tpu.dma_semaphore, #tpu.memory_space<semaphore_mem>>
      %dma_start3A_43 = arith.constant 0 : i32
      %dma_start3A_44 = tpu.memref_slice %arg8[%add3A_21, %dma_start3A_43] : memref<10240x128xf32, #tpu.memory_space<vmem_shared>> -> memref<128x128xf32, #tpu.memory_space<vmem_shared>>
      %dma_start3A_45 = arith.constant 0 : i32
      %dma_start3A_46 = tpu.memref_slice %arg8[%add3A_21, %dma_start3A_45] : memref<10240x128xf32, #tpu.memory_space<vmem_shared>> -> memref<128x128xf32, #tpu.memory_space<vmem_shared>>
      tpu.enqueue_dma source(%arg7 : memref<128x128xf32, #tpu.memory_space<vmem>>) target(%dma_start3A_46 : memref<128x128xf32, #tpu.memory_space<vmem_shared>>) target_semaphore(%run_scoped3A : memref<!tpu.dma_semaphore, #tpu.memory_space<semaphore_mem>>)
      %dma_wait3A_47 = arith.constant 0 : i32
      %dma_wait3A_48 = tpu.memref_slice %arg8[%add3A_21, %dma_wait3A_47] : memref<10240x128xf32, #tpu.memory_space<vmem_shared>> -> memref<128x128xf32, #tpu.memory_space<vmem_shared>>
      %dma_wait3A_49 = arith.constant 0 : i32
      %dma_wait3A_50 = tpu.memref_slice %arg8[%add3A_21, %dma_wait3A_49] : memref<10240x128xf32, #tpu.memory_space<vmem_shared>> -> memref<128x128xf32, #tpu.memory_space<vmem_shared>>
      tpu.wait_dma2 semaphore(%run_scoped3A : memref<!tpu.dma_semaphore, #tpu.memory_space<semaphore_mem>>) src(%arg7 : memref<128x128xf32, #tpu.memory_space<vmem>>) dst(%dma_wait3A_50 : memref<128x128xf32, #tpu.memory_space<vmem_shared>>)
      tpu.yield
    }) : () -> ()
    %add3A_22 = arith.constant 384 : i32
    %add3A_23 = arith.addi %mul3A_15, %add3A_22 : i32
    "tpu.region"() ({
      %run_scoped3A = tpu.sem_alloc : memref<!tpu.dma_semaphore, #tpu.memory_space<semaphore_mem>>
      %dma_start3A_43 = arith.constant 0 : i32
      %dma_start3A_44 = tpu.memref_slice %arg8[%add3A_23, %dma_start3A_43] : memref<10240x128xf32, #tpu.memory_space<vmem_shared>> -> memref<128x128xf32, #tpu.memory_space<vmem_shared>>
      %dma_start3A_45 = arith.constant 0 : i32
      %dma_start3A_46 = tpu.memref_slice %arg8[%add3A_23, %dma_start3A_45] : memref<10240x128xf32, #tpu.memory_space<vmem_shared>> -> memref<128x128xf32, #tpu.memory_space<vmem_shared>>
      tpu.enqueue_dma source(%arg7 : memref<128x128xf32, #tpu.memory_space<vmem>>) target(%dma_start3A_46 : memref<128x128xf32, #tpu.memory_space<vmem_shared>>) target_semaphore(%run_scoped3A : memref<!tpu.dma_semaphore, #tpu.memory_space<semaphore_mem>>)
      %dma_wait3A_47 = arith.constant 0 : i32
      %dma_wait3A_48 = tpu.memref_slice %arg8[%add3A_23, %dma_wait3A_47] : memref<10240x128xf32, #tpu.memory_space<vmem_shared>> -> memref<128x128xf32, #tpu.memory_space<vmem_shared>>
      %dma_wait3A_49 = arith.constant 0 : i32
      %dma_wait3A_50 = tpu.memref_slice %arg8[%add3A_23, %dma_wait3A_49] : memref<10240x128xf32, #tpu.memory_space<vmem_shared>> -> memref<128x128xf32, #tpu.memory_space<vmem_shared>>
      tpu.wait_dma2 semaphore(%run_scoped3A : memref<!tpu.dma_semaphore, #tpu.memory_space<semaphore_mem>>) src(%arg7 : memref<128x128xf32, #tpu.memory_space<vmem>>) dst(%dma_wait3A_50 : memref<128x128xf32, #tpu.memory_space<vmem_shared>>)
      tpu.yield
    }) : () -> ()
    %add3A_24 = arith.constant 512 : i32
    %add3A_25 = arith.addi %mul3A_15, %add3A_24 : i32
    "tpu.region"() ({
      %run_scoped3A = tpu.sem_alloc : memref<!tpu.dma_semaphore, #tpu.memory_space<semaphore_mem>>
      %dma_start3A_43 = arith.constant 0 : i32
      %dma_start3A_44 = tpu.memref_slice %arg8[%add3A_25, %dma_start3A_43] : memref<10240x128xf32, #tpu.memory_space<vmem_shared>> -> memref<128x128xf32, #tpu.memory_space<vmem_shared>>
      %dma_start3A_45 = arith.constant 0 : i32
      %dma_start3A_46 = tpu.memref_slice %arg8[%add3A_25, %dma_start3A_45] : memref<10240x128xf32, #tpu.memory_space<vmem_shared>> -> memref<128x128xf32, #tpu.memory_space<vmem_shared>>
      tpu.enqueue_dma source(%arg7 : memref<128x128xf32, #tpu.memory_space<vmem>>) target(%dma_start3A_46 : memref<128x128xf32, #tpu.memory_space<vmem_shared>>) target_semaphore(%run_scoped3A : memref<!tpu.dma_semaphore, #tpu.memory_space<semaphore_mem>>)
      %dma_wait3A_47 = arith.constant 0 : i32
      %dma_wait3A_48 = tpu.memref_slice %arg8[%add3A_25, %dma_wait3A_47] : memref<10240x128xf32, #tpu.memory_space<vmem_shared>> -> memref<128x128xf32, #tpu.memory_space<vmem_shared>>
      %dma_wait3A_49 = arith.constant 0 : i32
      %dma_wait3A_50 = tpu.memref_slice %arg8[%add3A_25, %dma_wait3A_49] : memref<10240x128xf32, #tpu.memory_space<vmem_shared>> -> memref<128x128xf32, #tpu.memory_space<vmem_shared>>
      tpu.wait_dma2 semaphore(%run_scoped3A : memref<!tpu.dma_semaphore, #tpu.memory_space<semaphore_mem>>) src(%arg7 : memref<128x128xf32, #tpu.memory_space<vmem>>) dst(%dma_wait3A_50 : memref<128x128xf32, #tpu.memory_space<vmem_shared>>)
      tpu.yield
    }) : () -> ()
    %barrier3A = arith.constant 0 : index
    tpu.barrier barrier_id(%barrier3A)
    %mul3A_26 = arith.constant 10000 : i32
    %mul3A_27 = arith.muli %add3A, %mul3A_26 : i32
    "tpu.region"() ({
      %run_scoped3A = tpu.sem_alloc : memref<!tpu.dma_semaphore, #tpu.memory_space<semaphore_mem>>
      %dma_start3A_43 = tpu.memref_slice %arg2[%mul3A_27] : memref<320000xi32, #tpu.memory_space<hbm>> -> memref<80xi32, #tpu.memory_space<hbm>>
      %dma_start3A_44 = tpu.memref_slice %arg2[%mul3A_27] : memref<320000xi32, #tpu.memory_space<hbm>> -> memref<80xi32, #tpu.memory_space<hbm>>
      tpu.enqueue_dma source(%dma_start3A_44 : memref<80xi32, #tpu.memory_space<hbm>>) target(%arg4 : memref<80xi32, #tpu.memory_space<vmem>>) target_semaphore(%run_scoped3A : memref<!tpu.dma_semaphore, #tpu.memory_space<semaphore_mem>>)
      %dma_wait3A_45 = tpu.memref_slice %arg2[%mul3A_27] : memref<320000xi32, #tpu.memory_space<hbm>> -> memref<80xi32, #tpu.memory_space<hbm>>
      %dma_wait3A_46 = tpu.memref_slice %arg2[%mul3A_27] : memref<320000xi32, #tpu.memory_space<hbm>> -> memref<80xi32, #tpu.memory_space<hbm>>
      tpu.wait_dma2 semaphore(%run_scoped3A : memref<!tpu.dma_semaphore, #tpu.memory_space<semaphore_mem>>) src(%dma_wait3A_46 : memref<80xi32, #tpu.memory_space<hbm>>) dst(%arg4 : memref<80xi32, #tpu.memory_space<vmem>>)
      tpu.yield
    }) : () -> ()
    %dma_start3A = arith.constant 0 : i32
    %dma_start3A_28 = arith.constant 0 : i32
    %dma_start3A_29 = tpu.memref_slice %arg8[%dma_start3A, %dma_start3A_28] : memref<10240x128xf32, #tpu.memory_space<vmem_shared>> -> memref<10240x128xf32, #tpu.memory_space<vmem_shared>>
    tpu.enqueue_indirect_dma source(%arg6 : memref<80x128xf32, #tpu.memory_space<vmem>>) target(%dma_start3A_29 : memref<10240x128xf32, #tpu.memory_space<vmem_shared>>) offsets(%arg4 : memref<80xi32, #tpu.memory_space<vmem>>) semaphore(%arg9 : memref<!tpu.dma_semaphore, #tpu.memory_space<semaphore_mem>>) {add = true}
    %scan3A_30 = arith.constant 0 : i32
    %scan3A_31 = arith.constant 0 : i32
    %scan3A_32 = arith.constant 62 : i32
    %scan3A_33 = arith.addi %scan3A_31, %scan3A_32 : i32
    %scan3A_34 = arith.constant 1 : i32
    %scan3A_35 = scf.for %scan3A_43 = %scan3A_31 to %scan3A_33 step %scan3A_34 iter_args(%scan3A_44 = %scan3A_30) -> (i32)  : i32 {
      %mul3A_45 = arith.constant 2 : i32
      %mul3A_46 = arith.muli %mul3A_45, %scan3A_43 : i32
      %add3A_47 = arith.constant 1 : i32
      %add3A_48 = arith.addi %mul3A_46, %add3A_47 : i32
      %mul3A_49 = arith.constant 80 : i32
      %mul3A_50 = arith.muli %add3A_48, %mul3A_49 : i32
      %add3A_51 = arith.addi %mul3A_27, %mul3A_50 : i32
      %gt3A = arith.constant 0 : i32
      %gt3A_52 = arith.cmpi sgt, %scan3A_43, %gt3A : i32
      %convert_element_type3A = arith.extui %gt3A_52 : i1 to i32
      %cond3A = arith.constant 0 : i32
      %cond3A_53 = arith.cmpi ne, %convert_element_type3A, %cond3A : i32
      scf.if %cond3A_53 {
        %dma_wait3A_66 = arith.constant 0 : i32
        %dma_wait3A_67 = arith.constant 0 : i32
        %dma_wait3A_68 = tpu.memref_slice %arg8[%dma_wait3A_66, %dma_wait3A_67] : memref<10240x128xf32, #tpu.memory_space<vmem_shared>> -> memref<10240x128xf32, #tpu.memory_space<vmem_shared>>
        tpu.wait_indirect_dma semaphore(%arg10 : memref<!tpu.dma_semaphore, #tpu.memory_space<semaphore_mem>>) src(%arg6 : memref<80x128xf32, #tpu.memory_space<vmem>>) dst(%dma_wait3A_68 : memref<10240x128xf32, #tpu.memory_space<vmem_shared>>)
      } else {
      }
      "tpu.region"() ({
        %run_scoped3A = tpu.sem_alloc : memref<!tpu.dma_semaphore, #tpu.memory_space<semaphore_mem>>
        %dma_start3A_66 = tpu.memref_slice %arg2[%add3A_51] : memref<320000xi32, #tpu.memory_space<hbm>> -> memref<80xi32, #tpu.memory_space<hbm>>
        %dma_start3A_67 = tpu.memref_slice %arg2[%add3A_51] : memref<320000xi32, #tpu.memory_space<hbm>> -> memref<80xi32, #tpu.memory_space<hbm>>
        tpu.enqueue_dma source(%dma_start3A_67 : memref<80xi32, #tpu.memory_space<hbm>>) target(%arg5 : memref<80xi32, #tpu.memory_space<vmem>>) target_semaphore(%run_scoped3A : memref<!tpu.dma_semaphore, #tpu.memory_space<semaphore_mem>>)
        %dma_wait3A_68 = tpu.memref_slice %arg2[%add3A_51] : memref<320000xi32, #tpu.memory_space<hbm>> -> memref<80xi32, #tpu.memory_space<hbm>>
        %dma_wait3A_69 = tpu.memref_slice %arg2[%add3A_51] : memref<320000xi32, #tpu.memory_space<hbm>> -> memref<80xi32, #tpu.memory_space<hbm>>
        tpu.wait_dma2 semaphore(%run_scoped3A : memref<!tpu.dma_semaphore, #tpu.memory_space<semaphore_mem>>) src(%dma_wait3A_69 : memref<80xi32, #tpu.memory_space<hbm>>) dst(%arg5 : memref<80xi32, #tpu.memory_space<vmem>>)
        tpu.yield
      }) : () -> ()
      %dma_start3A_54 = arith.constant 0 : i32
      %dma_start3A_55 = arith.constant 0 : i32
      %dma_start3A_56 = tpu.memref_slice %arg8[%dma_start3A_54, %dma_start3A_55] : memref<10240x128xf32, #tpu.memory_space<vmem_shared>> -> memref<10240x128xf32, #tpu.memory_space<vmem_shared>>
      tpu.enqueue_indirect_dma source(%arg6 : memref<80x128xf32, #tpu.memory_space<vmem>>) target(%dma_start3A_56 : memref<10240x128xf32, #tpu.memory_space<vmem_shared>>) offsets(%arg5 : memref<80xi32, #tpu.memory_space<vmem>>) semaphore(%arg10 : memref<!tpu.dma_semaphore, #tpu.memory_space<semaphore_mem>>) {add = true}
      %dma_wait3A_57 = arith.constant 0 : i32
      %dma_wait3A_58 = arith.constant 0 : i32
      %dma_wait3A_59 = tpu.memref_slice %arg8[%dma_wait3A_57, %dma_wait3A_58] : memref<10240x128xf32, #tpu.memory_space<vmem_shared>> -> memref<10240x128xf32, #tpu.memory_space<vmem_shared>>
      tpu.wait_indirect_dma semaphore(%arg9 : memref<!tpu.dma_semaphore, #tpu.memory_space<semaphore_mem>>) src(%arg6 : memref<80x128xf32, #tpu.memory_space<vmem>>) dst(%dma_wait3A_59 : memref<10240x128xf32, #tpu.memory_space<vmem_shared>>)
      %add3A_60 = arith.constant 80 : i32
      %add3A_61 = arith.addi %add3A_51, %add3A_60 : i32
      "tpu.region"() ({
        %run_scoped3A = tpu.sem_alloc : memref<!tpu.dma_semaphore, #tpu.memory_space<semaphore_mem>>
        %dma_start3A_66 = tpu.memref_slice %arg2[%add3A_61] : memref<320000xi32, #tpu.memory_space<hbm>> -> memref<80xi32, #tpu.memory_space<hbm>>
        %dma_start3A_67 = tpu.memref_slice %arg2[%add3A_61] : memref<320000xi32, #tpu.memory_space<hbm>> -> memref<80xi32, #tpu.memory_space<hbm>>
        tpu.enqueue_dma source(%dma_start3A_67 : memref<80xi32, #tpu.memory_space<hbm>>) target(%arg4 : memref<80xi32, #tpu.memory_space<vmem>>) target_semaphore(%run_scoped3A : memref<!tpu.dma_semaphore, #tpu.memory_space<semaphore_mem>>)
        %dma_wait3A_68 = tpu.memref_slice %arg2[%add3A_61] : memref<320000xi32, #tpu.memory_space<hbm>> -> memref<80xi32, #tpu.memory_space<hbm>>
        %dma_wait3A_69 = tpu.memref_slice %arg2[%add3A_61] : memref<320000xi32, #tpu.memory_space<hbm>> -> memref<80xi32, #tpu.memory_space<hbm>>
        tpu.wait_dma2 semaphore(%run_scoped3A : memref<!tpu.dma_semaphore, #tpu.memory_space<semaphore_mem>>) src(%dma_wait3A_69 : memref<80xi32, #tpu.memory_space<hbm>>) dst(%arg4 : memref<80xi32, #tpu.memory_space<vmem>>)
        tpu.yield
      }) : () -> ()
      %dma_start3A_62 = arith.constant 0 : i32
      %dma_start3A_63 = arith.constant 0 : i32
      %dma_start3A_64 = tpu.memref_slice %arg8[%dma_start3A_62, %dma_start3A_63] : memref<10240x128xf32, #tpu.memory_space<vmem_shared>> -> memref<10240x128xf32, #tpu.memory_space<vmem_shared>>
      tpu.enqueue_indirect_dma source(%arg6 : memref<80x128xf32, #tpu.memory_space<vmem>>) target(%dma_start3A_64 : memref<10240x128xf32, #tpu.memory_space<vmem_shared>>) offsets(%arg4 : memref<80xi32, #tpu.memory_space<vmem>>) semaphore(%arg9 : memref<!tpu.dma_semaphore, #tpu.memory_space<semaphore_mem>>) {add = true}
      %scan3A_65 = arith.constant 0 : i32
      scf.yield %scan3A_65 : i32
    }
    %scan3A_36 = arith.constant 62 : i32
    %dma_wait3A = arith.constant 0 : i32
    %dma_wait3A_37 = arith.constant 0 : i32
    %dma_wait3A_38 = tpu.memref_slice %arg8[%dma_wait3A, %dma_wait3A_37] : memref<10240x128xf32, #tpu.memory_space<vmem_shared>> -> memref<10240x128xf32, #tpu.memory_space<vmem_shared>>
    tpu.wait_indirect_dma semaphore(%arg10 : memref<!tpu.dma_semaphore, #tpu.memory_space<semaphore_mem>>) src(%arg6 : memref<80x128xf32, #tpu.memory_space<vmem>>) dst(%dma_wait3A_38 : memref<10240x128xf32, #tpu.memory_space<vmem_shared>>)
    %dma_wait3A_39 = arith.constant 0 : i32
    %dma_wait3A_40 = arith.constant 0 : i32
    %dma_wait3A_41 = tpu.memref_slice %arg8[%dma_wait3A_39, %dma_wait3A_40] : memref<10240x128xf32, #tpu.memory_space<vmem_shared>> -> memref<10240x128xf32, #tpu.memory_space<vmem_shared>>
    tpu.wait_indirect_dma semaphore(%arg9 : memref<!tpu.dma_semaphore, #tpu.memory_space<semaphore_mem>>) src(%arg6 : memref<80x128xf32, #tpu.memory_space<vmem>>) dst(%dma_wait3A_41 : memref<10240x128xf32, #tpu.memory_space<vmem_shared>>)
    %barrier3A_42 = arith.constant 0 : index
    tpu.barrier barrier_id(%barrier3A_42)
    "tpu.region"() ({
      %run_scoped3A = tpu.sem_alloc : memref<!tpu.dma_semaphore, #tpu.memory_space<semaphore_mem>>
      %dma_start3A_43 = arith.constant 0 : i32
      %dma_start3A_44 = tpu.memref_slice %arg3[%arg0, %mul3A_15, %dma_start3A_43] : memref<2x10240x128xf32, #tpu.memory_space<hbm>> -> memref<1x640x128xf32, #tpu.memory_space<hbm>>
      %dma_start3A_45 = tpu.memref_squeeze %dma_start3A_44 : memref<1x640x128xf32, #tpu.memory_space<hbm>> -> memref<640x128xf32, #tpu.memory_space<hbm>>
      %dma_start3A_46 = arith.constant 0 : i32
      %dma_start3A_47 = tpu.memref_slice %arg8[%mul3A_15, %dma_start3A_46] : memref<10240x128xf32, #tpu.memory_space<vmem_shared>> -> memref<640x128xf32, #tpu.memory_space<vmem_shared>>
      tpu.enqueue_dma source(%dma_start3A_47 : memref<640x128xf32, #tpu.memory_space<vmem_shared>>) target(%dma_start3A_45 : memref<640x128xf32, #tpu.memory_space<hbm>>) target_semaphore(%run_scoped3A : memref<!tpu.dma_semaphore, #tpu.memory_space<semaphore_mem>>)
      %dma_wait3A_48 = arith.constant 0 : i32
      %dma_wait3A_49 = tpu.memref_slice %arg3[%arg0, %mul3A_15, %dma_wait3A_48] : memref<2x10240x128xf32, #tpu.memory_space<hbm>> -> memref<1x640x128xf32, #tpu.memory_space<hbm>>
      %dma_wait3A_50 = tpu.memref_squeeze %dma_wait3A_49 : memref<1x640x128xf32, #tpu.memory_space<hbm>> -> memref<640x128xf32, #tpu.memory_space<hbm>>
      %dma_wait3A_51 = arith.constant 0 : i32
      %dma_wait3A_52 = tpu.memref_slice %arg8[%mul3A_15, %dma_wait3A_51] : memref<10240x128xf32, #tpu.memory_space<vmem_shared>> -> memref<640x128xf32, #tpu.memory_space<vmem_shared>>
      tpu.wait_dma2 semaphore(%run_scoped3A : memref<!tpu.dma_semaphore, #tpu.memory_space<semaphore_mem>>) src(%dma_wait3A_52 : memref<640x128xf32, #tpu.memory_space<vmem_shared>>) dst(%dma_wait3A_50 : memref<640x128xf32, #tpu.memory_space<hbm>>)
      tpu.yield
    }) : () -> ()
    return
  }
}

#map = affine_map<(d0, d1) -> (0)>
#map1 = affine_map<(d0, d1) -> (0, 0)>
#map2 = affine_map<(d0, d1) -> (0, 0, 0)>
module attributes {stable_mosaic.version = 14 : i64} {
  func.func @sc_edge_aggregate(%arg0: i32, %arg1: i32, %arg2: memref<320000xi32, #tpu.memory_space<hbm>>, %arg3: memref<320000xi32, #tpu.memory_space<hbm>>, %arg4: memref<10000x128xf32, #tpu.memory_space<hbm>>, %arg5: memref<2x10240x128xf32, #tpu.memory_space<hbm>>, %arg6: memref<80xi32, #tpu.memory_space<vmem>>, %arg7: memref<80xi32, #tpu.memory_space<vmem>>, %arg8: memref<80xi32, #tpu.memory_space<vmem>>, %arg9: memref<80xi32, #tpu.memory_space<vmem>>, %arg10: memref<80xi32, #tpu.memory_space<vmem>>, %arg11: memref<80xi32, #tpu.memory_space<vmem>>, %arg12: memref<80xi32, #tpu.memory_space<vmem>>, %arg13: memref<80xi32, #tpu.memory_space<vmem>>, %arg14: memref<80x128xf32, #tpu.memory_space<vmem>>, %arg15: memref<80x128xf32, #tpu.memory_space<vmem>>, %arg16: memref<80x128xf32, #tpu.memory_space<vmem>>, %arg17: memref<80x128xf32, #tpu.memory_space<vmem>>, %arg18: memref<10240x128xf32, #tpu.memory_space<vmem_shared>>, %arg19: memref<!tpu.dma_semaphore, #tpu.memory_space<semaphore_mem>>, %arg20: memref<!tpu.dma_semaphore, #tpu.memory_space<semaphore_mem>>, %arg21: memref<!tpu.dma_semaphore, #tpu.memory_space<semaphore_mem>>, %arg22: memref<!tpu.dma_semaphore, #tpu.memory_space<semaphore_mem>>, %arg23: memref<!tpu.dma_semaphore, #tpu.memory_space<semaphore_mem>>, %arg24: memref<!tpu.dma_semaphore, #tpu.memory_space<semaphore_mem>>, %arg25: memref<!tpu.dma_semaphore, #tpu.memory_space<semaphore_mem>>, %arg26: memref<!tpu.dma_semaphore, #tpu.memory_space<semaphore_mem>>) attributes {dimension_semantics = [#tpu.dimension_semantics<core_parallel>, #tpu.dimension_semantics<subcore_parallel>], iteration_bounds = array<i64: 2, 16>, scalar_prefetch = 0 : i64, scratch_operands = 21 : i64, tpu.core_type = #tpu.core_type<sc_vector_subcore>, window_params = [{transform_indices = #map}, {transform_indices = #map}, {transform_indices = #map1}, {transform_indices = #map2}]} {
    %mul3A = arith.constant 16 : i32
    %mul3A_0 = arith.muli %arg0, %mul3A : i32
    %add3A = arith.addi %mul3A_0, %arg1 : i32
    %mul3A_1 = arith.constant 10000 : i32
    %mul3A_2 = arith.muli %add3A, %mul3A_1 : i32
    %scan3A = arith.constant 0 : i32
    %scan3A_3 = arith.constant 0 : i32
    %scan3A_4 = arith.constant 80 : i32
    %scan3A_5 = arith.addi %scan3A_3, %scan3A_4 : i32
    %scan3A_6 = arith.constant 1 : i32
    %scan3A_7 = scf.for %scan3A_87 = %scan3A_3 to %scan3A_5 step %scan3A_6 iter_args(%scan3A_88 = %scan3A) -> (i32)  : i32 {
      %scan3A_89 = arith.constant 0 : i32
      %scan3A_90 = arith.constant 0 : i32
      %scan3A_91 = arith.constant 8 : i32
      %scan3A_92 = arith.addi %scan3A_90, %scan3A_91 : i32
      %scan3A_93 = arith.constant 1 : i32
      %scan3A_94 = scf.for %scan3A_96 = %scan3A_90 to %scan3A_92 step %scan3A_93 iter_args(%scan3A_97 = %scan3A_89) -> (i32)  : i32 {
        %broadcast_in_dim3A = arith.constant 0.000000e+00 : f32
        %broadcast_in_dim3A_98 = vector.broadcast %broadcast_in_dim3A : f32 to vector<16xf32>
        %mul3A_99 = arith.constant 16 : i32
        %mul3A_100 = arith.muli %scan3A_96, %mul3A_99 : i32
        %swap3A = arith.index_cast %scan3A_87 : i32 to index
        %swap3A_101 = arith.index_cast %mul3A_100 : i32 to index
        %swap3A_102 = tpu.vector_load %arg14[%swap3A, %swap3A_101] {strides = array<i32>} : memref<80x128xf32, #tpu.memory_space<vmem>>, vector<1x16xf32>,
        %swap3A_103 = vector.shape_cast %swap3A_102 : vector<1x16xf32> to vector<16xf32>
        %swap3A_104 = vector.shape_cast %broadcast_in_dim3A_98 : vector<16xf32> to vector<1x16xf32>
        tpu.vector_store %arg14[%swap3A, %swap3A_101], %swap3A_104 {strides = array<i32>} : memref<80x128xf32, #tpu.memory_space<vmem>>, vector<1x16xf32>,
        %scan3A_105 = arith.constant 0 : i32
        scf.yield %scan3A_105 : i32
      }
      %scan3A_95 = arith.constant 8 : i32
      scf.yield %scan3A_94 : i32
    }
    %scan3A_8 = arith.constant 80 : i32
    %mul3A_9 = arith.constant 640 : i32
    %mul3A_10 = arith.muli %arg1, %mul3A_9 : i32
    %add3A_11 = arith.constant 0 : i32
    %add3A_12 = arith.addi %mul3A_10, %add3A_11 : i32
    "tpu.region"() ({
      %run_scoped3A = tpu.sem_alloc : memref<!tpu.dma_semaphore, #tpu.memory_space<semaphore_mem>>
      %dma_start3A_87 = arith.constant 0 : i32
      %dma_start3A_88 = tpu.memref_slice %arg18[%add3A_12, %dma_start3A_87] : memref<10240x128xf32, #tpu.memory_space<vmem_shared>> -> memref<80x128xf32, #tpu.memory_space<vmem_shared>>
      %dma_start3A_89 = arith.constant 0 : i32
      %dma_start3A_90 = tpu.memref_slice %arg18[%add3A_12, %dma_start3A_89] : memref<10240x128xf32, #tpu.memory_space<vmem_shared>> -> memref<80x128xf32, #tpu.memory_space<vmem_shared>>
      tpu.enqueue_dma source(%arg14 : memref<80x128xf32, #tpu.memory_space<vmem>>) target(%dma_start3A_90 : memref<80x128xf32, #tpu.memory_space<vmem_shared>>) target_semaphore(%run_scoped3A : memref<!tpu.dma_semaphore, #tpu.memory_space<semaphore_mem>>)
      %dma_wait3A_91 = arith.constant 0 : i32
      %dma_wait3A_92 = tpu.memref_slice %arg18[%add3A_12, %dma_wait3A_91] : memref<10240x128xf32, #tpu.memory_space<vmem_shared>> -> memref<80x128xf32, #tpu.memory_space<vmem_shared>>
      %dma_wait3A_93 = arith.constant 0 : i32
      %dma_wait3A_94 = tpu.memref_slice %arg18[%add3A_12, %dma_wait3A_93] : memref<10240x128xf32, #tpu.memory_space<vmem_shared>> -> memref<80x128xf32, #tpu.memory_space<vmem_shared>>
      tpu.wait_dma2 semaphore(%run_scoped3A : memref<!tpu.dma_semaphore, #tpu.memory_space<semaphore_mem>>) src(%arg14 : memref<80x128xf32, #tpu.memory_space<vmem>>) dst(%dma_wait3A_94 : memref<80x128xf32, #tpu.memory_space<vmem_shared>>)
      tpu.yield
    }) : () -> ()
    %add3A_13 = arith.constant 80 : i32
    %add3A_14 = arith.addi %mul3A_10, %add3A_13 : i32
    "tpu.region"() ({
      %run_scoped3A = tpu.sem_alloc : memref<!tpu.dma_semaphore, #tpu.memory_space<semaphore_mem>>
      %dma_start3A_87 = arith.constant 0 : i32
      %dma_start3A_88 = tpu.memref_slice %arg18[%add3A_14, %dma_start3A_87] : memref<10240x128xf32, #tpu.memory_space<vmem_shared>> -> memref<80x128xf32, #tpu.memory_space<vmem_shared>>
      %dma_start3A_89 = arith.constant 0 : i32
      %dma_start3A_90 = tpu.memref_slice %arg18[%add3A_14, %dma_start3A_89] : memref<10240x128xf32, #tpu.memory_space<vmem_shared>> -> memref<80x128xf32, #tpu.memory_space<vmem_shared>>
      tpu.enqueue_dma source(%arg14 : memref<80x128xf32, #tpu.memory_space<vmem>>) target(%dma_start3A_90 : memref<80x128xf32, #tpu.memory_space<vmem_shared>>) target_semaphore(%run_scoped3A : memref<!tpu.dma_semaphore, #tpu.memory_space<semaphore_mem>>)
      %dma_wait3A_91 = arith.constant 0 : i32
      %dma_wait3A_92 = tpu.memref_slice %arg18[%add3A_14, %dma_wait3A_91] : memref<10240x128xf32, #tpu.memory_space<vmem_shared>> -> memref<80x128xf32, #tpu.memory_space<vmem_shared>>
      %dma_wait3A_93 = arith.constant 0 : i32
      %dma_wait3A_94 = tpu.memref_slice %arg18[%add3A_14, %dma_wait3A_93] : memref<10240x128xf32, #tpu.memory_space<vmem_shared>> -> memref<80x128xf32, #tpu.memory_space<vmem_shared>>
      tpu.wait_dma2 semaphore(%run_scoped3A : memref<!tpu.dma_semaphore, #tpu.memory_space<semaphore_mem>>) src(%arg14 : memref<80x128xf32, #tpu.memory_space<vmem>>) dst(%dma_wait3A_94 : memref<80x128xf32, #tpu.memory_space<vmem_shared>>)
      tpu.yield
    }) : () -> ()
    %add3A_15 = arith.constant 160 : i32
    %add3A_16 = arith.addi %mul3A_10, %add3A_15 : i32
    "tpu.region"() ({
      %run_scoped3A = tpu.sem_alloc : memref<!tpu.dma_semaphore, #tpu.memory_space<semaphore_mem>>
      %dma_start3A_87 = arith.constant 0 : i32
      %dma_start3A_88 = tpu.memref_slice %arg18[%add3A_16, %dma_start3A_87] : memref<10240x128xf32, #tpu.memory_space<vmem_shared>> -> memref<80x128xf32, #tpu.memory_space<vmem_shared>>
      %dma_start3A_89 = arith.constant 0 : i32
      %dma_start3A_90 = tpu.memref_slice %arg18[%add3A_16, %dma_start3A_89] : memref<10240x128xf32, #tpu.memory_space<vmem_shared>> -> memref<80x128xf32, #tpu.memory_space<vmem_shared>>
      tpu.enqueue_dma source(%arg14 : memref<80x128xf32, #tpu.memory_space<vmem>>) target(%dma_start3A_90 : memref<80x128xf32, #tpu.memory_space<vmem_shared>>) target_semaphore(%run_scoped3A : memref<!tpu.dma_semaphore, #tpu.memory_space<semaphore_mem>>)
      %dma_wait3A_91 = arith.constant 0 : i32
      %dma_wait3A_92 = tpu.memref_slice %arg18[%add3A_16, %dma_wait3A_91] : memref<10240x128xf32, #tpu.memory_space<vmem_shared>> -> memref<80x128xf32, #tpu.memory_space<vmem_shared>>
      %dma_wait3A_93 = arith.constant 0 : i32
      %dma_wait3A_94 = tpu.memref_slice %arg18[%add3A_16, %dma_wait3A_93] : memref<10240x128xf32, #tpu.memory_space<vmem_shared>> -> memref<80x128xf32, #tpu.memory_space<vmem_shared>>
      tpu.wait_dma2 semaphore(%run_scoped3A : memref<!tpu.dma_semaphore, #tpu.memory_space<semaphore_mem>>) src(%arg14 : memref<80x128xf32, #tpu.memory_space<vmem>>) dst(%dma_wait3A_94 : memref<80x128xf32, #tpu.memory_space<vmem_shared>>)
      tpu.yield
    }) : () -> ()
    %add3A_17 = arith.constant 240 : i32
    %add3A_18 = arith.addi %mul3A_10, %add3A_17 : i32
    "tpu.region"() ({
      %run_scoped3A = tpu.sem_alloc : memref<!tpu.dma_semaphore, #tpu.memory_space<semaphore_mem>>
      %dma_start3A_87 = arith.constant 0 : i32
      %dma_start3A_88 = tpu.memref_slice %arg18[%add3A_18, %dma_start3A_87] : memref<10240x128xf32, #tpu.memory_space<vmem_shared>> -> memref<80x128xf32, #tpu.memory_space<vmem_shared>>
      %dma_start3A_89 = arith.constant 0 : i32
      %dma_start3A_90 = tpu.memref_slice %arg18[%add3A_18, %dma_start3A_89] : memref<10240x128xf32, #tpu.memory_space<vmem_shared>> -> memref<80x128xf32, #tpu.memory_space<vmem_shared>>
      tpu.enqueue_dma source(%arg14 : memref<80x128xf32, #tpu.memory_space<vmem>>) target(%dma_start3A_90 : memref<80x128xf32, #tpu.memory_space<vmem_shared>>) target_semaphore(%run_scoped3A : memref<!tpu.dma_semaphore, #tpu.memory_space<semaphore_mem>>)
      %dma_wait3A_91 = arith.constant 0 : i32
      %dma_wait3A_92 = tpu.memref_slice %arg18[%add3A_18, %dma_wait3A_91] : memref<10240x128xf32, #tpu.memory_space<vmem_shared>> -> memref<80x128xf32, #tpu.memory_space<vmem_shared>>
      %dma_wait3A_93 = arith.constant 0 : i32
      %dma_wait3A_94 = tpu.memref_slice %arg18[%add3A_18, %dma_wait3A_93] : memref<10240x128xf32, #tpu.memory_space<vmem_shared>> -> memref<80x128xf32, #tpu.memory_space<vmem_shared>>
      tpu.wait_dma2 semaphore(%run_scoped3A : memref<!tpu.dma_semaphore, #tpu.memory_space<semaphore_mem>>) src(%arg14 : memref<80x128xf32, #tpu.memory_space<vmem>>) dst(%dma_wait3A_94 : memref<80x128xf32, #tpu.memory_space<vmem_shared>>)
      tpu.yield
    }) : () -> ()
    %add3A_19 = arith.constant 320 : i32
    %add3A_20 = arith.addi %mul3A_10, %add3A_19 : i32
    "tpu.region"() ({
      %run_scoped3A = tpu.sem_alloc : memref<!tpu.dma_semaphore, #tpu.memory_space<semaphore_mem>>
      %dma_start3A_87 = arith.constant 0 : i32
      %dma_start3A_88 = tpu.memref_slice %arg18[%add3A_20, %dma_start3A_87] : memref<10240x128xf32, #tpu.memory_space<vmem_shared>> -> memref<80x128xf32, #tpu.memory_space<vmem_shared>>
      %dma_start3A_89 = arith.constant 0 : i32
      %dma_start3A_90 = tpu.memref_slice %arg18[%add3A_20, %dma_start3A_89] : memref<10240x128xf32, #tpu.memory_space<vmem_shared>> -> memref<80x128xf32, #tpu.memory_space<vmem_shared>>
      tpu.enqueue_dma source(%arg14 : memref<80x128xf32, #tpu.memory_space<vmem>>) target(%dma_start3A_90 : memref<80x128xf32, #tpu.memory_space<vmem_shared>>) target_semaphore(%run_scoped3A : memref<!tpu.dma_semaphore, #tpu.memory_space<semaphore_mem>>)
      %dma_wait3A_91 = arith.constant 0 : i32
      %dma_wait3A_92 = tpu.memref_slice %arg18[%add3A_20, %dma_wait3A_91] : memref<10240x128xf32, #tpu.memory_space<vmem_shared>> -> memref<80x128xf32, #tpu.memory_space<vmem_shared>>
      %dma_wait3A_93 = arith.constant 0 : i32
      %dma_wait3A_94 = tpu.memref_slice %arg18[%add3A_20, %dma_wait3A_93] : memref<10240x128xf32, #tpu.memory_space<vmem_shared>> -> memref<80x128xf32, #tpu.memory_space<vmem_shared>>
      tpu.wait_dma2 semaphore(%run_scoped3A : memref<!tpu.dma_semaphore, #tpu.memory_space<semaphore_mem>>) src(%arg14 : memref<80x128xf32, #tpu.memory_space<vmem>>) dst(%dma_wait3A_94 : memref<80x128xf32, #tpu.memory_space<vmem_shared>>)
      tpu.yield
    }) : () -> ()
    %add3A_21 = arith.constant 400 : i32
    %add3A_22 = arith.addi %mul3A_10, %add3A_21 : i32
    "tpu.region"() ({
      %run_scoped3A = tpu.sem_alloc : memref<!tpu.dma_semaphore, #tpu.memory_space<semaphore_mem>>
      %dma_start3A_87 = arith.constant 0 : i32
      %dma_start3A_88 = tpu.memref_slice %arg18[%add3A_22, %dma_start3A_87] : memref<10240x128xf32, #tpu.memory_space<vmem_shared>> -> memref<80x128xf32, #tpu.memory_space<vmem_shared>>
      %dma_start3A_89 = arith.constant 0 : i32
      %dma_start3A_90 = tpu.memref_slice %arg18[%add3A_22, %dma_start3A_89] : memref<10240x128xf32, #tpu.memory_space<vmem_shared>> -> memref<80x128xf32, #tpu.memory_space<vmem_shared>>
      tpu.enqueue_dma source(%arg14 : memref<80x128xf32, #tpu.memory_space<vmem>>) target(%dma_start3A_90 : memref<80x128xf32, #tpu.memory_space<vmem_shared>>) target_semaphore(%run_scoped3A : memref<!tpu.dma_semaphore, #tpu.memory_space<semaphore_mem>>)
      %dma_wait3A_91 = arith.constant 0 : i32
      %dma_wait3A_92 = tpu.memref_slice %arg18[%add3A_22, %dma_wait3A_91] : memref<10240x128xf32, #tpu.memory_space<vmem_shared>> -> memref<80x128xf32, #tpu.memory_space<vmem_shared>>
      %dma_wait3A_93 = arith.constant 0 : i32
      %dma_wait3A_94 = tpu.memref_slice %arg18[%add3A_22, %dma_wait3A_93] : memref<10240x128xf32, #tpu.memory_space<vmem_shared>> -> memref<80x128xf32, #tpu.memory_space<vmem_shared>>
      tpu.wait_dma2 semaphore(%run_scoped3A : memref<!tpu.dma_semaphore, #tpu.memory_space<semaphore_mem>>) src(%arg14 : memref<80x128xf32, #tpu.memory_space<vmem>>) dst(%dma_wait3A_94 : memref<80x128xf32, #tpu.memory_space<vmem_shared>>)
      tpu.yield
    }) : () -> ()
    %add3A_23 = arith.constant 480 : i32
    %add3A_24 = arith.addi %mul3A_10, %add3A_23 : i32
    "tpu.region"() ({
      %run_scoped3A = tpu.sem_alloc : memref<!tpu.dma_semaphore, #tpu.memory_space<semaphore_mem>>
      %dma_start3A_87 = arith.constant 0 : i32
      %dma_start3A_88 = tpu.memref_slice %arg18[%add3A_24, %dma_start3A_87] : memref<10240x128xf32, #tpu.memory_space<vmem_shared>> -> memref<80x128xf32, #tpu.memory_space<vmem_shared>>
      %dma_start3A_89 = arith.constant 0 : i32
      %dma_start3A_90 = tpu.memref_slice %arg18[%add3A_24, %dma_start3A_89] : memref<10240x128xf32, #tpu.memory_space<vmem_shared>> -> memref<80x128xf32, #tpu.memory_space<vmem_shared>>
      tpu.enqueue_dma source(%arg14 : memref<80x128xf32, #tpu.memory_space<vmem>>) target(%dma_start3A_90 : memref<80x128xf32, #tpu.memory_space<vmem_shared>>) target_semaphore(%run_scoped3A : memref<!tpu.dma_semaphore, #tpu.memory_space<semaphore_mem>>)
      %dma_wait3A_91 = arith.constant 0 : i32
      %dma_wait3A_92 = tpu.memref_slice %arg18[%add3A_24, %dma_wait3A_91] : memref<10240x128xf32, #tpu.memory_space<vmem_shared>> -> memref<80x128xf32, #tpu.memory_space<vmem_shared>>
      %dma_wait3A_93 = arith.constant 0 : i32
      %dma_wait3A_94 = tpu.memref_slice %arg18[%add3A_24, %dma_wait3A_93] : memref<10240x128xf32, #tpu.memory_space<vmem_shared>> -> memref<80x128xf32, #tpu.memory_space<vmem_shared>>
      tpu.wait_dma2 semaphore(%run_scoped3A : memref<!tpu.dma_semaphore, #tpu.memory_space<semaphore_mem>>) src(%arg14 : memref<80x128xf32, #tpu.memory_space<vmem>>) dst(%dma_wait3A_94 : memref<80x128xf32, #tpu.memory_space<vmem_shared>>)
      tpu.yield
    }) : () -> ()
    %add3A_25 = arith.constant 560 : i32
    %add3A_26 = arith.addi %mul3A_10, %add3A_25 : i32
    "tpu.region"() ({
      %run_scoped3A = tpu.sem_alloc : memref<!tpu.dma_semaphore, #tpu.memory_space<semaphore_mem>>
      %dma_start3A_87 = arith.constant 0 : i32
      %dma_start3A_88 = tpu.memref_slice %arg18[%add3A_26, %dma_start3A_87] : memref<10240x128xf32, #tpu.memory_space<vmem_shared>> -> memref<80x128xf32, #tpu.memory_space<vmem_shared>>
      %dma_start3A_89 = arith.constant 0 : i32
      %dma_start3A_90 = tpu.memref_slice %arg18[%add3A_26, %dma_start3A_89] : memref<10240x128xf32, #tpu.memory_space<vmem_shared>> -> memref<80x128xf32, #tpu.memory_space<vmem_shared>>
      tpu.enqueue_dma source(%arg14 : memref<80x128xf32, #tpu.memory_space<vmem>>) target(%dma_start3A_90 : memref<80x128xf32, #tpu.memory_space<vmem_shared>>) target_semaphore(%run_scoped3A : memref<!tpu.dma_semaphore, #tpu.memory_space<semaphore_mem>>)
      %dma_wait3A_91 = arith.constant 0 : i32
      %dma_wait3A_92 = tpu.memref_slice %arg18[%add3A_26, %dma_wait3A_91] : memref<10240x128xf32, #tpu.memory_space<vmem_shared>> -> memref<80x128xf32, #tpu.memory_space<vmem_shared>>
      %dma_wait3A_93 = arith.constant 0 : i32
      %dma_wait3A_94 = tpu.memref_slice %arg18[%add3A_26, %dma_wait3A_93] : memref<10240x128xf32, #tpu.memory_space<vmem_shared>> -> memref<80x128xf32, #tpu.memory_space<vmem_shared>>
      tpu.wait_dma2 semaphore(%run_scoped3A : memref<!tpu.dma_semaphore, #tpu.memory_space<semaphore_mem>>) src(%arg14 : memref<80x128xf32, #tpu.memory_space<vmem>>) dst(%dma_wait3A_94 : memref<80x128xf32, #tpu.memory_space<vmem_shared>>)
      tpu.yield
    }) : () -> ()
    %barrier3A = arith.constant 0 : index
    tpu.barrier barrier_id(%barrier3A)
    %add3A_27 = arith.constant 0 : i32
    %add3A_28 = arith.addi %mul3A_2, %add3A_27 : i32
    "tpu.region"() ({
      %run_scoped3A = tpu.sem_alloc : memref<!tpu.dma_semaphore, #tpu.memory_space<semaphore_mem>>
      %dma_start3A_87 = tpu.memref_slice %arg2[%add3A_28] : memref<320000xi32, #tpu.memory_space<hbm>> -> memref<80xi32, #tpu.memory_space<hbm>>
      %dma_start3A_88 = tpu.memref_slice %arg2[%add3A_28] : memref<320000xi32, #tpu.memory_space<hbm>> -> memref<80xi32, #tpu.memory_space<hbm>>
      tpu.enqueue_dma source(%dma_start3A_88 : memref<80xi32, #tpu.memory_space<hbm>>) target(%arg6 : memref<80xi32, #tpu.memory_space<vmem>>) target_semaphore(%run_scoped3A : memref<!tpu.dma_semaphore, #tpu.memory_space<semaphore_mem>>)
      %dma_wait3A_89 = tpu.memref_slice %arg2[%add3A_28] : memref<320000xi32, #tpu.memory_space<hbm>> -> memref<80xi32, #tpu.memory_space<hbm>>
      %dma_wait3A_90 = tpu.memref_slice %arg2[%add3A_28] : memref<320000xi32, #tpu.memory_space<hbm>> -> memref<80xi32, #tpu.memory_space<hbm>>
      tpu.wait_dma2 semaphore(%run_scoped3A : memref<!tpu.dma_semaphore, #tpu.memory_space<semaphore_mem>>) src(%dma_wait3A_90 : memref<80xi32, #tpu.memory_space<hbm>>) dst(%arg6 : memref<80xi32, #tpu.memory_space<vmem>>)
      tpu.yield
    }) : () -> ()
    %dma_start3A = arith.constant 0 : i32
    %dma_start3A_29 = arith.constant 0 : i32
    %dma_start3A_30 = tpu.memref_slice %arg4[%dma_start3A, %dma_start3A_29] : memref<10000x128xf32, #tpu.memory_space<hbm>> -> memref<10000x128xf32, #tpu.memory_space<hbm>>
    tpu.enqueue_indirect_dma source(%dma_start3A_30 : memref<10000x128xf32, #tpu.memory_space<hbm>>) target(%arg14 : memref<80x128xf32, #tpu.memory_space<vmem>>) offsets(%arg6 : memref<80xi32, #tpu.memory_space<vmem>>) semaphore(%arg19 : memref<!tpu.dma_semaphore, #tpu.memory_space<semaphore_mem>>)
    %add3A_31 = arith.constant 80 : i32
    %add3A_32 = arith.addi %mul3A_2, %add3A_31 : i32
    "tpu.region"() ({
      %run_scoped3A = tpu.sem_alloc : memref<!tpu.dma_semaphore, #tpu.memory_space<semaphore_mem>>
      %dma_start3A_87 = tpu.memref_slice %arg2[%add3A_32] : memref<320000xi32, #tpu.memory_space<hbm>> -> memref<80xi32, #tpu.memory_space<hbm>>
      %dma_start3A_88 = tpu.memref_slice %arg2[%add3A_32] : memref<320000xi32, #tpu.memory_space<hbm>> -> memref<80xi32, #tpu.memory_space<hbm>>
      tpu.enqueue_dma source(%dma_start3A_88 : memref<80xi32, #tpu.memory_space<hbm>>) target(%arg7 : memref<80xi32, #tpu.memory_space<vmem>>) target_semaphore(%run_scoped3A : memref<!tpu.dma_semaphore, #tpu.memory_space<semaphore_mem>>)
      %dma_wait3A_89 = tpu.memref_slice %arg2[%add3A_32] : memref<320000xi32, #tpu.memory_space<hbm>> -> memref<80xi32, #tpu.memory_space<hbm>>
      %dma_wait3A_90 = tpu.memref_slice %arg2[%add3A_32] : memref<320000xi32, #tpu.memory_space<hbm>> -> memref<80xi32, #tpu.memory_space<hbm>>
      tpu.wait_dma2 semaphore(%run_scoped3A : memref<!tpu.dma_semaphore, #tpu.memory_space<semaphore_mem>>) src(%dma_wait3A_90 : memref<80xi32, #tpu.memory_space<hbm>>) dst(%arg7 : memref<80xi32, #tpu.memory_space<vmem>>)
      tpu.yield
    }) : () -> ()
    %dma_start3A_33 = arith.constant 0 : i32
    %dma_start3A_34 = arith.constant 0 : i32
    %dma_start3A_35 = tpu.memref_slice %arg4[%dma_start3A_33, %dma_start3A_34] : memref<10000x128xf32, #tpu.memory_space<hbm>> -> memref<10000x128xf32, #tpu.memory_space<hbm>>
    tpu.enqueue_indirect_dma source(%dma_start3A_35 : memref<10000x128xf32, #tpu.memory_space<hbm>>) target(%arg15 : memref<80x128xf32, #tpu.memory_space<vmem>>) offsets(%arg7 : memref<80xi32, #tpu.memory_space<vmem>>) semaphore(%arg20 : memref<!tpu.dma_semaphore, #tpu.memory_space<semaphore_mem>>)
    %scan3A_36 = arith.constant 0 : i32
    %scan3A_37 = arith.constant 1 : i32
    %scan3A_38 = arith.constant 61 : i32
    %scan3A_39 = arith.addi %scan3A_37, %scan3A_38 : i32
    %scan3A_40 = arith.constant 1 : i32
    %scan3A_41 = scf.for %scan3A_87 = %scan3A_37 to %scan3A_39 step %scan3A_40 iter_args(%scan3A_88 = %scan3A_36) -> (i32)  : i32 {
      %jit3A = arith.constant 2 : i32
      %eq3A = arith.constant 0 : i32
      %eq3A_89 = arith.cmpi eq, %jit3A, %eq3A : i32
      %jit3A_90 = arith.constant 1 : i32
      %select_n3A = arith.select %eq3A_89, %jit3A_90, %jit3A : i32
      %rem3A = arith.remsi %scan3A_87, %select_n3A : i32
      %ne3A = arith.constant 0 : i32
      %ne3A_91 = arith.cmpi ne, %rem3A, %ne3A : i32
      %lt3A = arith.constant 0 : i32
      %lt3A_92 = arith.cmpi slt, %rem3A, %lt3A : i32
      %lt3A_93 = arith.constant 0 : i32
      %lt3A_94 = arith.cmpi slt, %select_n3A, %lt3A_93 : i32
      %ne3A_95 = arith.xori %lt3A_92, %lt3A_94 : i1
      %and3A = arith.andi %ne3A_95, %ne3A_91 : i1
      %add3A_96 = arith.addi %rem3A, %select_n3A : i32
      %select_n3A_97 = arith.select %and3A, %add3A_96, %rem3A : i32
      %eq3A_98 = arith.constant 1 : i32
      %eq3A_99 = arith.cmpi eq, %select_n3A_97, %eq3A_98 : i32
      %convert_element_type3A = arith.extui %eq3A_99 : i1 to i32
      %cond3A = arith.constant 0 : i32
      %cond3A_100 = arith.cmpi ne, %convert_element_type3A, %cond3A : i32
      scf.if %cond3A_100 {
        %ge3A = arith.constant 3 : i32
        %ge3A_123 = arith.cmpi sge, %scan3A_87, %ge3A : i32
        %convert_element_type3A_124 = arith.extui %ge3A_123 : i1 to i32
        %cond3A_125 = arith.constant 0 : i32
        %cond3A_126 = arith.cmpi ne, %convert_element_type3A_124, %cond3A_125 : i32
        scf.if %cond3A_126 {
          %dma_wait3A_170 = arith.constant 0 : i32
          %dma_wait3A_171 = arith.constant 0 : i32
          %dma_wait3A_172 = tpu.memref_slice %arg18[%dma_wait3A_170, %dma_wait3A_171] : memref<10240x128xf32, #tpu.memory_space<vmem_shared>> -> memref<10240x128xf32, #tpu.memory_space<vmem_shared>>
          tpu.wait_indirect_dma semaphore(%arg25 : memref<!tpu.dma_semaphore, #tpu.memory_space<semaphore_mem>>) src(%arg16 : memref<80x128xf32, #tpu.memory_space<vmem>>) dst(%dma_wait3A_172 : memref<10240x128xf32, #tpu.memory_space<vmem_shared>>)
          %dma_wait3A_173 = arith.constant 0 : i32
          %dma_wait3A_174 = arith.constant 0 : i32
          %dma_wait3A_175 = tpu.memref_slice %arg18[%dma_wait3A_173, %dma_wait3A_174] : memref<10240x128xf32, #tpu.memory_space<vmem_shared>> -> memref<10240x128xf32, #tpu.memory_space<vmem_shared>>
          tpu.wait_indirect_dma semaphore(%arg26 : memref<!tpu.dma_semaphore, #tpu.memory_space<semaphore_mem>>) src(%arg17 : memref<80x128xf32, #tpu.memory_space<vmem>>) dst(%dma_wait3A_175 : memref<10240x128xf32, #tpu.memory_space<vmem_shared>>)
        } else {
        }
        %mul3A_127 = arith.constant 2 : i32
        %mul3A_128 = arith.muli %mul3A_127, %scan3A_87 : i32
        %mul3A_129 = arith.constant 80 : i32
        %mul3A_130 = arith.muli %mul3A_128, %mul3A_129 : i32
        %add3A_131 = arith.addi %mul3A_2, %mul3A_130 : i32
        "tpu.region"() ({
          %run_scoped3A = tpu.sem_alloc : memref<!tpu.dma_semaphore, #tpu.memory_space<semaphore_mem>>
          %dma_start3A_170 = tpu.memref_slice %arg2[%add3A_131] : memref<320000xi32, #tpu.memory_space<hbm>> -> memref<80xi32, #tpu.memory_space<hbm>>
          %dma_start3A_171 = tpu.memref_slice %arg2[%add3A_131] : memref<320000xi32, #tpu.memory_space<hbm>> -> memref<80xi32, #tpu.memory_space<hbm>>
          tpu.enqueue_dma source(%dma_start3A_171 : memref<80xi32, #tpu.memory_space<hbm>>) target(%arg8 : memref<80xi32, #tpu.memory_space<vmem>>) target_semaphore(%run_scoped3A : memref<!tpu.dma_semaphore, #tpu.memory_space<semaphore_mem>>)
          %dma_wait3A_172 = tpu.memref_slice %arg2[%add3A_131] : memref<320000xi32, #tpu.memory_space<hbm>> -> memref<80xi32, #tpu.memory_space<hbm>>
          %dma_wait3A_173 = tpu.memref_slice %arg2[%add3A_131] : memref<320000xi32, #tpu.memory_space<hbm>> -> memref<80xi32, #tpu.memory_space<hbm>>
          tpu.wait_dma2 semaphore(%run_scoped3A : memref<!tpu.dma_semaphore, #tpu.memory_space<semaphore_mem>>) src(%dma_wait3A_173 : memref<80xi32, #tpu.memory_space<hbm>>) dst(%arg8 : memref<80xi32, #tpu.memory_space<vmem>>)
          tpu.yield
        }) : () -> ()
        %dma_start3A_132 = arith.constant 0 : i32
        %dma_start3A_133 = arith.constant 0 : i32
        %dma_start3A_134 = tpu.memref_slice %arg4[%dma_start3A_132, %dma_start3A_133] : memref<10000x128xf32, #tpu.memory_space<hbm>> -> memref<10000x128xf32, #tpu.memory_space<hbm>>
        tpu.enqueue_indirect_dma source(%dma_start3A_134 : memref<10000x128xf32, #tpu.memory_space<hbm>>) target(%arg16 : memref<80x128xf32, #tpu.memory_space<vmem>>) offsets(%arg8 : memref<80xi32, #tpu.memory_space<vmem>>) semaphore(%arg21 : memref<!tpu.dma_semaphore, #tpu.memory_space<semaphore_mem>>)
        %mul3A_135 = arith.constant 2 : i32
        %mul3A_136 = arith.muli %mul3A_135, %scan3A_87 : i32
        %add3A_137 = arith.constant 1 : i32
        %add3A_138 = arith.addi %mul3A_136, %add3A_137 : i32
        %mul3A_139 = arith.constant 80 : i32
        %mul3A_140 = arith.muli %add3A_138, %mul3A_139 : i32
        %add3A_141 = arith.addi %mul3A_2, %mul3A_140 : i32
        "tpu.region"() ({
          %run_scoped3A = tpu.sem_alloc : memref<!tpu.dma_semaphore, #tpu.memory_space<semaphore_mem>>
          %dma_start3A_170 = tpu.memref_slice %arg2[%add3A_141] : memref<320000xi32, #tpu.memory_space<hbm>> -> memref<80xi32, #tpu.memory_space<hbm>>
          %dma_start3A_171 = tpu.memref_slice %arg2[%add3A_141] : memref<320000xi32, #tpu.memory_space<hbm>> -> memref<80xi32, #tpu.memory_space<hbm>>
          tpu.enqueue_dma source(%dma_start3A_171 : memref<80xi32, #tpu.memory_space<hbm>>) target(%arg9 : memref<80xi32, #tpu.memory_space<vmem>>) target_semaphore(%run_scoped3A : memref<!tpu.dma_semaphore, #tpu.memory_space<semaphore_mem>>)
          %dma_wait3A_172 = tpu.memref_slice %arg2[%add3A_141] : memref<320000xi32, #tpu.memory_space<hbm>> -> memref<80xi32, #tpu.memory_space<hbm>>
          %dma_wait3A_173 = tpu.memref_slice %arg2[%add3A_141] : memref<320000xi32, #tpu.memory_space<hbm>> -> memref<80xi32, #tpu.memory_space<hbm>>
          tpu.wait_dma2 semaphore(%run_scoped3A : memref<!tpu.dma_semaphore, #tpu.memory_space<semaphore_mem>>) src(%dma_wait3A_173 : memref<80xi32, #tpu.memory_space<hbm>>) dst(%arg9 : memref<80xi32, #tpu.memory_space<vmem>>)
          tpu.yield
        }) : () -> ()
        %dma_start3A_142 = arith.constant 0 : i32
        %dma_start3A_143 = arith.constant 0 : i32
        %dma_start3A_144 = tpu.memref_slice %arg4[%dma_start3A_142, %dma_start3A_143] : memref<10000x128xf32, #tpu.memory_space<hbm>> -> memref<10000x128xf32, #tpu.memory_space<hbm>>
        tpu.enqueue_indirect_dma source(%dma_start3A_144 : memref<10000x128xf32, #tpu.memory_space<hbm>>) target(%arg17 : memref<80x128xf32, #tpu.memory_space<vmem>>) offsets(%arg9 : memref<80xi32, #tpu.memory_space<vmem>>) semaphore(%arg22 : memref<!tpu.dma_semaphore, #tpu.memory_space<semaphore_mem>>)
        %mul3A_145 = arith.constant 2 : i32
        %mul3A_146 = arith.muli %mul3A_145, %scan3A_87 : i32
        %sub3A = arith.constant 2 : i32
        %sub3A_147 = arith.subi %mul3A_146, %sub3A : i32
        %dma_wait3A_148 = arith.constant 0 : i32
        %dma_wait3A_149 = arith.constant 0 : i32
        %dma_wait3A_150 = tpu.memref_slice %arg4[%dma_wait3A_148, %dma_wait3A_149] : memref<10000x128xf32, #tpu.memory_space<hbm>> -> memref<10000x128xf32, #tpu.memory_space<hbm>>
        tpu.wait_indirect_dma semaphore(%arg19 : memref<!tpu.dma_semaphore, #tpu.memory_space<semaphore_mem>>) src(%dma_wait3A_150 : memref<10000x128xf32, #tpu.memory_space<hbm>>) dst(%arg14 : memref<80x128xf32, #tpu.memory_space<vmem>>)
        %mul3A_151 = arith.constant 80 : i32
        %mul3A_152 = arith.muli %sub3A_147, %mul3A_151 : i32
        %add3A_153 = arith.addi %mul3A_2, %mul3A_152 : i32
        "tpu.region"() ({
          %run_scoped3A = tpu.sem_alloc : memref<!tpu.dma_semaphore, #tpu.memory_space<semaphore_mem>>
          %dma_start3A_170 = tpu.memref_slice %arg3[%add3A_153] : memref<320000xi32, #tpu.memory_space<hbm>> -> memref<80xi32, #tpu.memory_space<hbm>>
          %dma_start3A_171 = tpu.memref_slice %arg3[%add3A_153] : memref<320000xi32, #tpu.memory_space<hbm>> -> memref<80xi32, #tpu.memory_space<hbm>>
          tpu.enqueue_dma source(%dma_start3A_171 : memref<80xi32, #tpu.memory_space<hbm>>) target(%arg10 : memref<80xi32, #tpu.memory_space<vmem>>) target_semaphore(%run_scoped3A : memref<!tpu.dma_semaphore, #tpu.memory_space<semaphore_mem>>)
          %dma_wait3A_172 = tpu.memref_slice %arg3[%add3A_153] : memref<320000xi32, #tpu.memory_space<hbm>> -> memref<80xi32, #tpu.memory_space<hbm>>
          %dma_wait3A_173 = tpu.memref_slice %arg3[%add3A_153] : memref<320000xi32, #tpu.memory_space<hbm>> -> memref<80xi32, #tpu.memory_space<hbm>>
          tpu.wait_dma2 semaphore(%run_scoped3A : memref<!tpu.dma_semaphore, #tpu.memory_space<semaphore_mem>>) src(%dma_wait3A_173 : memref<80xi32, #tpu.memory_space<hbm>>) dst(%arg10 : memref<80xi32, #tpu.memory_space<vmem>>)
          tpu.yield
        }) : () -> ()
        %dma_start3A_154 = arith.constant 0 : i32
        %dma_start3A_155 = arith.constant 0 : i32
        %dma_start3A_156 = tpu.memref_slice %arg18[%dma_start3A_154, %dma_start3A_155] : memref<10240x128xf32, #tpu.memory_space<vmem_shared>> -> memref<10240x128xf32, #tpu.memory_space<vmem_shared>>
        tpu.enqueue_indirect_dma source(%arg14 : memref<80x128xf32, #tpu.memory_space<vmem>>) target(%dma_start3A_156 : memref<10240x128xf32, #tpu.memory_space<vmem_shared>>) offsets(%arg10 : memref<80xi32, #tpu.memory_space<vmem>>) semaphore(%arg23 : memref<!tpu.dma_semaphore, #tpu.memory_space<semaphore_mem>>) {add = true}
        %mul3A_157 = arith.constant 2 : i32
        %mul3A_158 = arith.muli %mul3A_157, %scan3A_87 : i32
        %sub3A_159 = arith.constant 1 : i32
        %sub3A_160 = arith.subi %mul3A_158, %sub3A_159 : i32
        %dma_wait3A_161 = arith.constant 0 : i32
        %dma_wait3A_162 = arith.constant 0 : i32
        %dma_wait3A_163 = tpu.memref_slice %arg4[%dma_wait3A_161, %dma_wait3A_162] : memref<10000x128xf32, #tpu.memory_space<hbm>> -> memref<10000x128xf32, #tpu.memory_space<hbm>>
        tpu.wait_indirect_dma semaphore(%arg20 : memref<!tpu.dma_semaphore, #tpu.memory_space<semaphore_mem>>) src(%dma_wait3A_163 : memref<10000x128xf32, #tpu.memory_space<hbm>>) dst(%arg15 : memref<80x128xf32, #tpu.memory_space<vmem>>)
        %mul3A_164 = arith.constant 80 : i32
        %mul3A_165 = arith.muli %sub3A_160, %mul3A_164 : i32
        %add3A_166 = arith.addi %mul3A_2, %mul3A_165 : i32
        "tpu.region"() ({
          %run_scoped3A = tpu.sem_alloc : memref<!tpu.dma_semaphore, #tpu.memory_space<semaphore_mem>>
          %dma_start3A_170 = tpu.memref_slice %arg3[%add3A_166] : memref<320000xi32, #tpu.memory_space<hbm>> -> memref<80xi32, #tpu.memory_space<hbm>>
          %dma_start3A_171 = tpu.memref_slice %arg3[%add3A_166] : memref<320000xi32, #tpu.memory_space<hbm>> -> memref<80xi32, #tpu.memory_space<hbm>>
          tpu.enqueue_dma source(%dma_start3A_171 : memref<80xi32, #tpu.memory_space<hbm>>) target(%arg11 : memref<80xi32, #tpu.memory_space<vmem>>) target_semaphore(%run_scoped3A : memref<!tpu.dma_semaphore, #tpu.memory_space<semaphore_mem>>)
          %dma_wait3A_172 = tpu.memref_slice %arg3[%add3A_166] : memref<320000xi32, #tpu.memory_space<hbm>> -> memref<80xi32, #tpu.memory_space<hbm>>
          %dma_wait3A_173 = tpu.memref_slice %arg3[%add3A_166] : memref<320000xi32, #tpu.memory_space<hbm>> -> memref<80xi32, #tpu.memory_space<hbm>>
          tpu.wait_dma2 semaphore(%run_scoped3A : memref<!tpu.dma_semaphore, #tpu.memory_space<semaphore_mem>>) src(%dma_wait3A_173 : memref<80xi32, #tpu.memory_space<hbm>>) dst(%arg11 : memref<80xi32, #tpu.memory_space<vmem>>)
          tpu.yield
        }) : () -> ()
        %dma_start3A_167 = arith.constant 0 : i32
        %dma_start3A_168 = arith.constant 0 : i32
        %dma_start3A_169 = tpu.memref_slice %arg18[%dma_start3A_167, %dma_start3A_168] : memref<10240x128xf32, #tpu.memory_space<vmem_shared>> -> memref<10240x128xf32, #tpu.memory_space<vmem_shared>>
        tpu.enqueue_indirect_dma source(%arg15 : memref<80x128xf32, #tpu.memory_space<vmem>>) target(%dma_start3A_169 : memref<10240x128xf32, #tpu.memory_space<vmem_shared>>) offsets(%arg11 : memref<80xi32, #tpu.memory_space<vmem>>) semaphore(%arg24 : memref<!tpu.dma_semaphore, #tpu.memory_space<semaphore_mem>>) {add = true}
      } else {
      }
      %jit3A_101 = arith.constant 2 : i32
      %eq3A_102 = arith.constant 0 : i32
      %eq3A_103 = arith.cmpi eq, %jit3A_101, %eq3A_102 : i32
      %jit3A_104 = arith.constant 1 : i32
      %select_n3A_105 = arith.select %eq3A_103, %jit3A_104, %jit3A_101 : i32
      %rem3A_106 = arith.remsi %scan3A_87, %select_n3A_105 : i32
      %ne3A_107 = arith.constant 0 : i32
      %ne3A_108 = arith.cmpi ne, %rem3A_106, %ne3A_107 : i32
      %lt3A_109 = arith.constant 0 : i32
      %lt3A_110 = arith.cmpi slt, %rem3A_106, %lt3A_109 : i32
      %lt3A_111 = arith.constant 0 : i32
      %lt3A_112 = arith.cmpi slt, %select_n3A_105, %lt3A_111 : i32
      %ne3A_113 = arith.xori %lt3A_110, %lt3A_112 : i1
      %and3A_114 = arith.andi %ne3A_113, %ne3A_108 : i1
      %add3A_115 = arith.addi %rem3A_106, %select_n3A_105 : i32
      %select_n3A_116 = arith.select %and3A_114, %add3A_115, %rem3A_106 : i32
      %eq3A_117 = arith.constant 0 : i32
      %eq3A_118 = arith.cmpi eq, %select_n3A_116, %eq3A_117 : i32
      %convert_element_type3A_119 = arith.extui %eq3A_118 : i1 to i32
      %cond3A_120 = arith.constant 0 : i32
      %cond3A_121 = arith.cmpi ne, %convert_element_type3A_119, %cond3A_120 : i32
      scf.if %cond3A_121 {
        %ge3A = arith.constant 2 : i32
        %ge3A_123 = arith.cmpi sge, %scan3A_87, %ge3A : i32
        %convert_element_type3A_124 = arith.extui %ge3A_123 : i1 to i32
        %cond3A_125 = arith.constant 0 : i32
        %cond3A_126 = arith.cmpi ne, %convert_element_type3A_124, %cond3A_125 : i32
        scf.if %cond3A_126 {
          %dma_wait3A_170 = arith.constant 0 : i32
          %dma_wait3A_171 = arith.constant 0 : i32
          %dma_wait3A_172 = tpu.memref_slice %arg18[%dma_wait3A_170, %dma_wait3A_171] : memref<10240x128xf32, #tpu.memory_space<vmem_shared>> -> memref<10240x128xf32, #tpu.memory_space<vmem_shared>>
          tpu.wait_indirect_dma semaphore(%arg23 : memref<!tpu.dma_semaphore, #tpu.memory_space<semaphore_mem>>) src(%arg14 : memref<80x128xf32, #tpu.memory_space<vmem>>) dst(%dma_wait3A_172 : memref<10240x128xf32, #tpu.memory_space<vmem_shared>>)
          %dma_wait3A_173 = arith.constant 0 : i32
          %dma_wait3A_174 = arith.constant 0 : i32
          %dma_wait3A_175 = tpu.memref_slice %arg18[%dma_wait3A_173, %dma_wait3A_174] : memref<10240x128xf32, #tpu.memory_space<vmem_shared>> -> memref<10240x128xf32, #tpu.memory_space<vmem_shared>>
          tpu.wait_indirect_dma semaphore(%arg24 : memref<!tpu.dma_semaphore, #tpu.memory_space<semaphore_mem>>) src(%arg15 : memref<80x128xf32, #tpu.memory_space<vmem>>) dst(%dma_wait3A_175 : memref<10240x128xf32, #tpu.memory_space<vmem_shared>>)
        } else {
        }
        %mul3A_127 = arith.constant 2 : i32
        %mul3A_128 = arith.muli %mul3A_127, %scan3A_87 : i32
        %mul3A_129 = arith.constant 80 : i32
        %mul3A_130 = arith.muli %mul3A_128, %mul3A_129 : i32
        %add3A_131 = arith.addi %mul3A_2, %mul3A_130 : i32
        "tpu.region"() ({
          %run_scoped3A = tpu.sem_alloc : memref<!tpu.dma_semaphore, #tpu.memory_space<semaphore_mem>>
          %dma_start3A_170 = tpu.memref_slice %arg2[%add3A_131] : memref<320000xi32, #tpu.memory_space<hbm>> -> memref<80xi32, #tpu.memory_space<hbm>>
          %dma_start3A_171 = tpu.memref_slice %arg2[%add3A_131] : memref<320000xi32, #tpu.memory_space<hbm>> -> memref<80xi32, #tpu.memory_space<hbm>>
          tpu.enqueue_dma source(%dma_start3A_171 : memref<80xi32, #tpu.memory_space<hbm>>) target(%arg6 : memref<80xi32, #tpu.memory_space<vmem>>) target_semaphore(%run_scoped3A : memref<!tpu.dma_semaphore, #tpu.memory_space<semaphore_mem>>)
          %dma_wait3A_172 = tpu.memref_slice %arg2[%add3A_131] : memref<320000xi32, #tpu.memory_space<hbm>> -> memref<80xi32, #tpu.memory_space<hbm>>
          %dma_wait3A_173 = tpu.memref_slice %arg2[%add3A_131] : memref<320000xi32, #tpu.memory_space<hbm>> -> memref<80xi32, #tpu.memory_space<hbm>>
          tpu.wait_dma2 semaphore(%run_scoped3A : memref<!tpu.dma_semaphore, #tpu.memory_space<semaphore_mem>>) src(%dma_wait3A_173 : memref<80xi32, #tpu.memory_space<hbm>>) dst(%arg6 : memref<80xi32, #tpu.memory_space<vmem>>)
          tpu.yield
        }) : () -> ()
        %dma_start3A_132 = arith.constant 0 : i32
        %dma_start3A_133 = arith.constant 0 : i32
        %dma_start3A_134 = tpu.memref_slice %arg4[%dma_start3A_132, %dma_start3A_133] : memref<10000x128xf32, #tpu.memory_space<hbm>> -> memref<10000x128xf32, #tpu.memory_space<hbm>>
        tpu.enqueue_indirect_dma source(%dma_start3A_134 : memref<10000x128xf32, #tpu.memory_space<hbm>>) target(%arg14 : memref<80x128xf32, #tpu.memory_space<vmem>>) offsets(%arg6 : memref<80xi32, #tpu.memory_space<vmem>>) semaphore(%arg19 : memref<!tpu.dma_semaphore, #tpu.memory_space<semaphore_mem>>)
        %mul3A_135 = arith.constant 2 : i32
        %mul3A_136 = arith.muli %mul3A_135, %scan3A_87 : i32
        %add3A_137 = arith.constant 1 : i32
        %add3A_138 = arith.addi %mul3A_136, %add3A_137 : i32
        %mul3A_139 = arith.constant 80 : i32
        %mul3A_140 = arith.muli %add3A_138, %mul3A_139 : i32
        %add3A_141 = arith.addi %mul3A_2, %mul3A_140 : i32
        "tpu.region"() ({
          %run_scoped3A = tpu.sem_alloc : memref<!tpu.dma_semaphore, #tpu.memory_space<semaphore_mem>>
          %dma_start3A_170 = tpu.memref_slice %arg2[%add3A_141] : memref<320000xi32, #tpu.memory_space<hbm>> -> memref<80xi32, #tpu.memory_space<hbm>>
          %dma_start3A_171 = tpu.memref_slice %arg2[%add3A_141] : memref<320000xi32, #tpu.memory_space<hbm>> -> memref<80xi32, #tpu.memory_space<hbm>>
          tpu.enqueue_dma source(%dma_start3A_171 : memref<80xi32, #tpu.memory_space<hbm>>) target(%arg7 : memref<80xi32, #tpu.memory_space<vmem>>) target_semaphore(%run_scoped3A : memref<!tpu.dma_semaphore, #tpu.memory_space<semaphore_mem>>)
          %dma_wait3A_172 = tpu.memref_slice %arg2[%add3A_141] : memref<320000xi32, #tpu.memory_space<hbm>> -> memref<80xi32, #tpu.memory_space<hbm>>
          %dma_wait3A_173 = tpu.memref_slice %arg2[%add3A_141] : memref<320000xi32, #tpu.memory_space<hbm>> -> memref<80xi32, #tpu.memory_space<hbm>>
          tpu.wait_dma2 semaphore(%run_scoped3A : memref<!tpu.dma_semaphore, #tpu.memory_space<semaphore_mem>>) src(%dma_wait3A_173 : memref<80xi32, #tpu.memory_space<hbm>>) dst(%arg7 : memref<80xi32, #tpu.memory_space<vmem>>)
          tpu.yield
        }) : () -> ()
        %dma_start3A_142 = arith.constant 0 : i32
        %dma_start3A_143 = arith.constant 0 : i32
        %dma_start3A_144 = tpu.memref_slice %arg4[%dma_start3A_142, %dma_start3A_143] : memref<10000x128xf32, #tpu.memory_space<hbm>> -> memref<10000x128xf32, #tpu.memory_space<hbm>>
        tpu.enqueue_indirect_dma source(%dma_start3A_144 : memref<10000x128xf32, #tpu.memory_space<hbm>>) target(%arg15 : memref<80x128xf32, #tpu.memory_space<vmem>>) offsets(%arg7 : memref<80xi32, #tpu.memory_space<vmem>>) semaphore(%arg20 : memref<!tpu.dma_semaphore, #tpu.memory_space<semaphore_mem>>)
        %mul3A_145 = arith.constant 2 : i32
        %mul3A_146 = arith.muli %mul3A_145, %scan3A_87 : i32
        %sub3A = arith.constant 2 : i32
        %sub3A_147 = arith.subi %mul3A_146, %sub3A : i32
        %dma_wait3A_148 = arith.constant 0 : i32
        %dma_wait3A_149 = arith.constant 0 : i32
        %dma_wait3A_150 = tpu.memref_slice %arg4[%dma_wait3A_148, %dma_wait3A_149] : memref<10000x128xf32, #tpu.memory_space<hbm>> -> memref<10000x128xf32, #tpu.memory_space<hbm>>
        tpu.wait_indirect_dma semaphore(%arg21 : memref<!tpu.dma_semaphore, #tpu.memory_space<semaphore_mem>>) src(%dma_wait3A_150 : memref<10000x128xf32, #tpu.memory_space<hbm>>) dst(%arg16 : memref<80x128xf32, #tpu.memory_space<vmem>>)
        %mul3A_151 = arith.constant 80 : i32
        %mul3A_152 = arith.muli %sub3A_147, %mul3A_151 : i32
        %add3A_153 = arith.addi %mul3A_2, %mul3A_152 : i32
        "tpu.region"() ({
          %run_scoped3A = tpu.sem_alloc : memref<!tpu.dma_semaphore, #tpu.memory_space<semaphore_mem>>
          %dma_start3A_170 = tpu.memref_slice %arg3[%add3A_153] : memref<320000xi32, #tpu.memory_space<hbm>> -> memref<80xi32, #tpu.memory_space<hbm>>
          %dma_start3A_171 = tpu.memref_slice %arg3[%add3A_153] : memref<320000xi32, #tpu.memory_space<hbm>> -> memref<80xi32, #tpu.memory_space<hbm>>
          tpu.enqueue_dma source(%dma_start3A_171 : memref<80xi32, #tpu.memory_space<hbm>>) target(%arg12 : memref<80xi32, #tpu.memory_space<vmem>>) target_semaphore(%run_scoped3A : memref<!tpu.dma_semaphore, #tpu.memory_space<semaphore_mem>>)
          %dma_wait3A_172 = tpu.memref_slice %arg3[%add3A_153] : memref<320000xi32, #tpu.memory_space<hbm>> -> memref<80xi32, #tpu.memory_space<hbm>>
          %dma_wait3A_173 = tpu.memref_slice %arg3[%add3A_153] : memref<320000xi32, #tpu.memory_space<hbm>> -> memref<80xi32, #tpu.memory_space<hbm>>
          tpu.wait_dma2 semaphore(%run_scoped3A : memref<!tpu.dma_semaphore, #tpu.memory_space<semaphore_mem>>) src(%dma_wait3A_173 : memref<80xi32, #tpu.memory_space<hbm>>) dst(%arg12 : memref<80xi32, #tpu.memory_space<vmem>>)
          tpu.yield
        }) : () -> ()
        %dma_start3A_154 = arith.constant 0 : i32
        %dma_start3A_155 = arith.constant 0 : i32
        %dma_start3A_156 = tpu.memref_slice %arg18[%dma_start3A_154, %dma_start3A_155] : memref<10240x128xf32, #tpu.memory_space<vmem_shared>> -> memref<10240x128xf32, #tpu.memory_space<vmem_shared>>
        tpu.enqueue_indirect_dma source(%arg16 : memref<80x128xf32, #tpu.memory_space<vmem>>) target(%dma_start3A_156 : memref<10240x128xf32, #tpu.memory_space<vmem_shared>>) offsets(%arg12 : memref<80xi32, #tpu.memory_space<vmem>>) semaphore(%arg25 : memref<!tpu.dma_semaphore, #tpu.memory_space<semaphore_mem>>) {add = true}
        %mul3A_157 = arith.constant 2 : i32
        %mul3A_158 = arith.muli %mul3A_157, %scan3A_87 : i32
        %sub3A_159 = arith.constant 1 : i32
        %sub3A_160 = arith.subi %mul3A_158, %sub3A_159 : i32
        %dma_wait3A_161 = arith.constant 0 : i32
        %dma_wait3A_162 = arith.constant 0 : i32
        %dma_wait3A_163 = tpu.memref_slice %arg4[%dma_wait3A_161, %dma_wait3A_162] : memref<10000x128xf32, #tpu.memory_space<hbm>> -> memref<10000x128xf32, #tpu.memory_space<hbm>>
        tpu.wait_indirect_dma semaphore(%arg22 : memref<!tpu.dma_semaphore, #tpu.memory_space<semaphore_mem>>) src(%dma_wait3A_163 : memref<10000x128xf32, #tpu.memory_space<hbm>>) dst(%arg17 : memref<80x128xf32, #tpu.memory_space<vmem>>)
        %mul3A_164 = arith.constant 80 : i32
        %mul3A_165 = arith.muli %sub3A_160, %mul3A_164 : i32
        %add3A_166 = arith.addi %mul3A_2, %mul3A_165 : i32
        "tpu.region"() ({
          %run_scoped3A = tpu.sem_alloc : memref<!tpu.dma_semaphore, #tpu.memory_space<semaphore_mem>>
          %dma_start3A_170 = tpu.memref_slice %arg3[%add3A_166] : memref<320000xi32, #tpu.memory_space<hbm>> -> memref<80xi32, #tpu.memory_space<hbm>>
          %dma_start3A_171 = tpu.memref_slice %arg3[%add3A_166] : memref<320000xi32, #tpu.memory_space<hbm>> -> memref<80xi32, #tpu.memory_space<hbm>>
          tpu.enqueue_dma source(%dma_start3A_171 : memref<80xi32, #tpu.memory_space<hbm>>) target(%arg13 : memref<80xi32, #tpu.memory_space<vmem>>) target_semaphore(%run_scoped3A : memref<!tpu.dma_semaphore, #tpu.memory_space<semaphore_mem>>)
          %dma_wait3A_172 = tpu.memref_slice %arg3[%add3A_166] : memref<320000xi32, #tpu.memory_space<hbm>> -> memref<80xi32, #tpu.memory_space<hbm>>
          %dma_wait3A_173 = tpu.memref_slice %arg3[%add3A_166] : memref<320000xi32, #tpu.memory_space<hbm>> -> memref<80xi32, #tpu.memory_space<hbm>>
          tpu.wait_dma2 semaphore(%run_scoped3A : memref<!tpu.dma_semaphore, #tpu.memory_space<semaphore_mem>>) src(%dma_wait3A_173 : memref<80xi32, #tpu.memory_space<hbm>>) dst(%arg13 : memref<80xi32, #tpu.memory_space<vmem>>)
          tpu.yield
        }) : () -> ()
        %dma_start3A_167 = arith.constant 0 : i32
        %dma_start3A_168 = arith.constant 0 : i32
        %dma_start3A_169 = tpu.memref_slice %arg18[%dma_start3A_167, %dma_start3A_168] : memref<10240x128xf32, #tpu.memory_space<vmem_shared>> -> memref<10240x128xf32, #tpu.memory_space<vmem_shared>>
        tpu.enqueue_indirect_dma source(%arg17 : memref<80x128xf32, #tpu.memory_space<vmem>>) target(%dma_start3A_169 : memref<10240x128xf32, #tpu.memory_space<vmem_shared>>) offsets(%arg13 : memref<80xi32, #tpu.memory_space<vmem>>) semaphore(%arg26 : memref<!tpu.dma_semaphore, #tpu.memory_space<semaphore_mem>>) {add = true}
      } else {
      }
      %scan3A_122 = arith.constant 0 : i32
      scf.yield %scan3A_122 : i32
    }
    %scan3A_42 = arith.constant 61 : i32
    %dma_wait3A = arith.constant 0 : i32
    %dma_wait3A_43 = arith.constant 0 : i32
    %dma_wait3A_44 = tpu.memref_slice %arg4[%dma_wait3A, %dma_wait3A_43] : memref<10000x128xf32, #tpu.memory_space<hbm>> -> memref<10000x128xf32, #tpu.memory_space<hbm>>
    tpu.wait_indirect_dma semaphore(%arg21 : memref<!tpu.dma_semaphore, #tpu.memory_space<semaphore_mem>>) src(%dma_wait3A_44 : memref<10000x128xf32, #tpu.memory_space<hbm>>) dst(%arg16 : memref<80x128xf32, #tpu.memory_space<vmem>>)
    %add3A_45 = arith.constant 9760 : i32
    %add3A_46 = arith.addi %mul3A_2, %add3A_45 : i32
    "tpu.region"() ({
      %run_scoped3A = tpu.sem_alloc : memref<!tpu.dma_semaphore, #tpu.memory_space<semaphore_mem>>
      %dma_start3A_87 = tpu.memref_slice %arg3[%add3A_46] : memref<320000xi32, #tpu.memory_space<hbm>> -> memref<80xi32, #tpu.memory_space<hbm>>
      %dma_start3A_88 = tpu.memref_slice %arg3[%add3A_46] : memref<320000xi32, #tpu.memory_space<hbm>> -> memref<80xi32, #tpu.memory_space<hbm>>
      tpu.enqueue_dma source(%dma_start3A_88 : memref<80xi32, #tpu.memory_space<hbm>>) target(%arg12 : memref<80xi32, #tpu.memory_space<vmem>>) target_semaphore(%run_scoped3A : memref<!tpu.dma_semaphore, #tpu.memory_space<semaphore_mem>>)
      %dma_wait3A_89 = tpu.memref_slice %arg3[%add3A_46] : memref<320000xi32, #tpu.memory_space<hbm>> -> memref<80xi32, #tpu.memory_space<hbm>>
      %dma_wait3A_90 = tpu.memref_slice %arg3[%add3A_46] : memref<320000xi32, #tpu.memory_space<hbm>> -> memref<80xi32, #tpu.memory_space<hbm>>
      tpu.wait_dma2 semaphore(%run_scoped3A : memref<!tpu.dma_semaphore, #tpu.memory_space<semaphore_mem>>) src(%dma_wait3A_90 : memref<80xi32, #tpu.memory_space<hbm>>) dst(%arg12 : memref<80xi32, #tpu.memory_space<vmem>>)
      tpu.yield
    }) : () -> ()
    %dma_start3A_47 = arith.constant 0 : i32
    %dma_start3A_48 = arith.constant 0 : i32
    %dma_start3A_49 = tpu.memref_slice %arg18[%dma_start3A_47, %dma_start3A_48] : memref<10240x128xf32, #tpu.memory_space<vmem_shared>> -> memref<10240x128xf32, #tpu.memory_space<vmem_shared>>
    tpu.enqueue_indirect_dma source(%arg16 : memref<80x128xf32, #tpu.memory_space<vmem>>) target(%dma_start3A_49 : memref<10240x128xf32, #tpu.memory_space<vmem_shared>>) offsets(%arg12 : memref<80xi32, #tpu.memory_space<vmem>>) semaphore(%arg25 : memref<!tpu.dma_semaphore, #tpu.memory_space<semaphore_mem>>) {add = true}
    %dma_wait3A_50 = arith.constant 0 : i32
    %dma_wait3A_51 = arith.constant 0 : i32
    %dma_wait3A_52 = tpu.memref_slice %arg4[%dma_wait3A_50, %dma_wait3A_51] : memref<10000x128xf32, #tpu.memory_space<hbm>> -> memref<10000x128xf32, #tpu.memory_space<hbm>>
    tpu.wait_indirect_dma semaphore(%arg22 : memref<!tpu.dma_semaphore, #tpu.memory_space<semaphore_mem>>) src(%dma_wait3A_52 : memref<10000x128xf32, #tpu.memory_space<hbm>>) dst(%arg17 : memref<80x128xf32, #tpu.memory_space<vmem>>)
    %add3A_53 = arith.constant 9840 : i32
    %add3A_54 = arith.addi %mul3A_2, %add3A_53 : i32
    "tpu.region"() ({
      %run_scoped3A = tpu.sem_alloc : memref<!tpu.dma_semaphore, #tpu.memory_space<semaphore_mem>>
      %dma_start3A_87 = tpu.memref_slice %arg3[%add3A_54] : memref<320000xi32, #tpu.memory_space<hbm>> -> memref<80xi32, #tpu.memory_space<hbm>>
      %dma_start3A_88 = tpu.memref_slice %arg3[%add3A_54] : memref<320000xi32, #tpu.memory_space<hbm>> -> memref<80xi32, #tpu.memory_space<hbm>>
      tpu.enqueue_dma source(%dma_start3A_88 : memref<80xi32, #tpu.memory_space<hbm>>) target(%arg13 : memref<80xi32, #tpu.memory_space<vmem>>) target_semaphore(%run_scoped3A : memref<!tpu.dma_semaphore, #tpu.memory_space<semaphore_mem>>)
      %dma_wait3A_89 = tpu.memref_slice %arg3[%add3A_54] : memref<320000xi32, #tpu.memory_space<hbm>> -> memref<80xi32, #tpu.memory_space<hbm>>
      %dma_wait3A_90 = tpu.memref_slice %arg3[%add3A_54] : memref<320000xi32, #tpu.memory_space<hbm>> -> memref<80xi32, #tpu.memory_space<hbm>>
      tpu.wait_dma2 semaphore(%run_scoped3A : memref<!tpu.dma_semaphore, #tpu.memory_space<semaphore_mem>>) src(%dma_wait3A_90 : memref<80xi32, #tpu.memory_space<hbm>>) dst(%arg13 : memref<80xi32, #tpu.memory_space<vmem>>)
      tpu.yield
    }) : () -> ()
    %dma_start3A_55 = arith.constant 0 : i32
    %dma_start3A_56 = arith.constant 0 : i32
    %dma_start3A_57 = tpu.memref_slice %arg18[%dma_start3A_55, %dma_start3A_56] : memref<10240x128xf32, #tpu.memory_space<vmem_shared>> -> memref<10240x128xf32, #tpu.memory_space<vmem_shared>>
    tpu.enqueue_indirect_dma source(%arg17 : memref<80x128xf32, #tpu.memory_space<vmem>>) target(%dma_start3A_57 : memref<10240x128xf32, #tpu.memory_space<vmem_shared>>) offsets(%arg13 : memref<80xi32, #tpu.memory_space<vmem>>) semaphore(%arg26 : memref<!tpu.dma_semaphore, #tpu.memory_space<semaphore_mem>>) {add = true}
    %dma_wait3A_58 = arith.constant 0 : i32
    %dma_wait3A_59 = arith.constant 0 : i32
    %dma_wait3A_60 = tpu.memref_slice %arg18[%dma_wait3A_58, %dma_wait3A_59] : memref<10240x128xf32, #tpu.memory_space<vmem_shared>> -> memref<10240x128xf32, #tpu.memory_space<vmem_shared>>
    tpu.wait_indirect_dma semaphore(%arg23 : memref<!tpu.dma_semaphore, #tpu.memory_space<semaphore_mem>>) src(%arg14 : memref<80x128xf32, #tpu.memory_space<vmem>>) dst(%dma_wait3A_60 : memref<10240x128xf32, #tpu.memory_space<vmem_shared>>)
    %add3A_61 = arith.constant 9920 : i32
    %add3A_62 = arith.addi %mul3A_2, %add3A_61 : i32
    "tpu.region"() ({
      %run_scoped3A = tpu.sem_alloc : memref<!tpu.dma_semaphore, #tpu.memory_space<semaphore_mem>>
      %dma_start3A_87 = tpu.memref_slice %arg2[%add3A_62] : memref<320000xi32, #tpu.memory_space<hbm>> -> memref<80xi32, #tpu.memory_space<hbm>>
      %dma_start3A_88 = tpu.memref_slice %arg2[%add3A_62] : memref<320000xi32, #tpu.memory_space<hbm>> -> memref<80xi32, #tpu.memory_space<hbm>>
      tpu.enqueue_dma source(%dma_start3A_88 : memref<80xi32, #tpu.memory_space<hbm>>) target(%arg6 : memref<80xi32, #tpu.memory_space<vmem>>) target_semaphore(%run_scoped3A : memref<!tpu.dma_semaphore, #tpu.memory_space<semaphore_mem>>)
      %dma_wait3A_89 = tpu.memref_slice %arg2[%add3A_62] : memref<320000xi32, #tpu.memory_space<hbm>> -> memref<80xi32, #tpu.memory_space<hbm>>
      %dma_wait3A_90 = tpu.memref_slice %arg2[%add3A_62] : memref<320000xi32, #tpu.memory_space<hbm>> -> memref<80xi32, #tpu.memory_space<hbm>>
      tpu.wait_dma2 semaphore(%run_scoped3A : memref<!tpu.dma_semaphore, #tpu.memory_space<semaphore_mem>>) src(%dma_wait3A_90 : memref<80xi32, #tpu.memory_space<hbm>>) dst(%arg6 : memref<80xi32, #tpu.memory_space<vmem>>)
      tpu.yield
    }) : () -> ()
    %dma_start3A_63 = arith.constant 0 : i32
    %dma_start3A_64 = arith.constant 0 : i32
    %dma_start3A_65 = tpu.memref_slice %arg4[%dma_start3A_63, %dma_start3A_64] : memref<10000x128xf32, #tpu.memory_space<hbm>> -> memref<10000x128xf32, #tpu.memory_space<hbm>>
    tpu.enqueue_indirect_dma source(%dma_start3A_65 : memref<10000x128xf32, #tpu.memory_space<hbm>>) target(%arg14 : memref<80x128xf32, #tpu.memory_space<vmem>>) offsets(%arg6 : memref<80xi32, #tpu.memory_space<vmem>>) semaphore(%arg19 : memref<!tpu.dma_semaphore, #tpu.memory_space<semaphore_mem>>)
    %dma_wait3A_66 = arith.constant 0 : i32
    %dma_wait3A_67 = arith.constant 0 : i32
    %dma_wait3A_68 = tpu.memref_slice %arg4[%dma_wait3A_66, %dma_wait3A_67] : memref<10000x128xf32, #tpu.memory_space<hbm>> -> memref<10000x128xf32, #tpu.memory_space<hbm>>
    tpu.wait_indirect_dma semaphore(%arg19 : memref<!tpu.dma_semaphore, #tpu.memory_space<semaphore_mem>>) src(%dma_wait3A_68 : memref<10000x128xf32, #tpu.memory_space<hbm>>) dst(%arg14 : memref<80x128xf32, #tpu.memory_space<vmem>>)
    %add3A_69 = arith.constant 9920 : i32
    %add3A_70 = arith.addi %mul3A_2, %add3A_69 : i32
    "tpu.region"() ({
      %run_scoped3A = tpu.sem_alloc : memref<!tpu.dma_semaphore, #tpu.memory_space<semaphore_mem>>
      %dma_start3A_87 = tpu.memref_slice %arg3[%add3A_70] : memref<320000xi32, #tpu.memory_space<hbm>> -> memref<80xi32, #tpu.memory_space<hbm>>
      %dma_start3A_88 = tpu.memref_slice %arg3[%add3A_70] : memref<320000xi32, #tpu.memory_space<hbm>> -> memref<80xi32, #tpu.memory_space<hbm>>
      tpu.enqueue_dma source(%dma_start3A_88 : memref<80xi32, #tpu.memory_space<hbm>>) target(%arg10 : memref<80xi32, #tpu.memory_space<vmem>>) target_semaphore(%run_scoped3A : memref<!tpu.dma_semaphore, #tpu.memory_space<semaphore_mem>>)
      %dma_wait3A_89 = tpu.memref_slice %arg3[%add3A_70] : memref<320000xi32, #tpu.memory_space<hbm>> -> memref<80xi32, #tpu.memory_space<hbm>>
      %dma_wait3A_90 = tpu.memref_slice %arg3[%add3A_70] : memref<320000xi32, #tpu.memory_space<hbm>> -> memref<80xi32, #tpu.memory_space<hbm>>
      tpu.wait_dma2 semaphore(%run_scoped3A : memref<!tpu.dma_semaphore, #tpu.memory_space<semaphore_mem>>) src(%dma_wait3A_90 : memref<80xi32, #tpu.memory_space<hbm>>) dst(%arg10 : memref<80xi32, #tpu.memory_space<vmem>>)
      tpu.yield
    }) : () -> ()
    %dma_start3A_71 = arith.constant 0 : i32
    %dma_start3A_72 = arith.constant 0 : i32
    %dma_start3A_73 = tpu.memref_slice %arg18[%dma_start3A_71, %dma_start3A_72] : memref<10240x128xf32, #tpu.memory_space<vmem_shared>> -> memref<10240x128xf32, #tpu.memory_space<vmem_shared>>
    tpu.enqueue_indirect_dma source(%arg14 : memref<80x128xf32, #tpu.memory_space<vmem>>) target(%dma_start3A_73 : memref<10240x128xf32, #tpu.memory_space<vmem_shared>>) offsets(%arg10 : memref<80xi32, #tpu.memory_space<vmem>>) semaphore(%arg23 : memref<!tpu.dma_semaphore, #tpu.memory_space<semaphore_mem>>) {add = true}
    %dma_wait3A_74 = arith.constant 0 : i32
    %dma_wait3A_75 = arith.constant 0 : i32
    %dma_wait3A_76 = tpu.memref_slice %arg18[%dma_wait3A_74, %dma_wait3A_75] : memref<10240x128xf32, #tpu.memory_space<vmem_shared>> -> memref<10240x128xf32, #tpu.memory_space<vmem_shared>>
    tpu.wait_indirect_dma semaphore(%arg23 : memref<!tpu.dma_semaphore, #tpu.memory_space<semaphore_mem>>) src(%arg14 : memref<80x128xf32, #tpu.memory_space<vmem>>) dst(%dma_wait3A_76 : memref<10240x128xf32, #tpu.memory_space<vmem_shared>>)
    %dma_wait3A_77 = arith.constant 0 : i32
    %dma_wait3A_78 = arith.constant 0 : i32
    %dma_wait3A_79 = tpu.memref_slice %arg18[%dma_wait3A_77, %dma_wait3A_78] : memref<10240x128xf32, #tpu.memory_space<vmem_shared>> -> memref<10240x128xf32, #tpu.memory_space<vmem_shared>>
    tpu.wait_indirect_dma semaphore(%arg24 : memref<!tpu.dma_semaphore, #tpu.memory_space<semaphore_mem>>) src(%arg15 : memref<80x128xf32, #tpu.memory_space<vmem>>) dst(%dma_wait3A_79 : memref<10240x128xf32, #tpu.memory_space<vmem_shared>>)
    %dma_wait3A_80 = arith.constant 0 : i32
    %dma_wait3A_81 = arith.constant 0 : i32
    %dma_wait3A_82 = tpu.memref_slice %arg18[%dma_wait3A_80, %dma_wait3A_81] : memref<10240x128xf32, #tpu.memory_space<vmem_shared>> -> memref<10240x128xf32, #tpu.memory_space<vmem_shared>>
    tpu.wait_indirect_dma semaphore(%arg25 : memref<!tpu.dma_semaphore, #tpu.memory_space<semaphore_mem>>) src(%arg16 : memref<80x128xf32, #tpu.memory_space<vmem>>) dst(%dma_wait3A_82 : memref<10240x128xf32, #tpu.memory_space<vmem_shared>>)
    %dma_wait3A_83 = arith.constant 0 : i32
    %dma_wait3A_84 = arith.constant 0 : i32
    %dma_wait3A_85 = tpu.memref_slice %arg18[%dma_wait3A_83, %dma_wait3A_84] : memref<10240x128xf32, #tpu.memory_space<vmem_shared>> -> memref<10240x128xf32, #tpu.memory_space<vmem_shared>>
    tpu.wait_indirect_dma semaphore(%arg26 : memref<!tpu.dma_semaphore, #tpu.memory_space<semaphore_mem>>) src(%arg17 : memref<80x128xf32, #tpu.memory_space<vmem>>) dst(%dma_wait3A_85 : memref<10240x128xf32, #tpu.memory_space<vmem_shared>>)
    %barrier3A_86 = arith.constant 0 : index
    tpu.barrier barrier_id(%barrier3A_86)
    "tpu.region"() ({
      %run_scoped3A = tpu.sem_alloc : memref<!tpu.dma_semaphore, #tpu.memory_space<semaphore_mem>>
      %dma_start3A_87 = arith.constant 0 : i32
      %dma_start3A_88 = tpu.memref_slice %arg5[%arg0, %mul3A_10, %dma_start3A_87] : memref<2x10240x128xf32, #tpu.memory_space<hbm>> -> memref<1x640x128xf32, #tpu.memory_space<hbm>>
      %dma_start3A_89 = tpu.memref_squeeze %dma_start3A_88 : memref<1x640x128xf32, #tpu.memory_space<hbm>> -> memref<640x128xf32, #tpu.memory_space<hbm>>
      %dma_start3A_90 = arith.constant 0 : i32
      %dma_start3A_91 = tpu.memref_slice %arg18[%mul3A_10, %dma_start3A_90] : memref<10240x128xf32, #tpu.memory_space<vmem_shared>> -> memref<640x128xf32, #tpu.memory_space<vmem_shared>>
      tpu.enqueue_dma source(%dma_start3A_91 : memref<640x128xf32, #tpu.memory_space<vmem_shared>>) target(%dma_start3A_89 : memref<640x128xf32, #tpu.memory_space<hbm>>) target_semaphore(%run_scoped3A : memref<!tpu.dma_semaphore, #tpu.memory_space<semaphore_mem>>)
      %dma_wait3A_92 = arith.constant 0 : i32
      %dma_wait3A_93 = tpu.memref_slice %arg5[%arg0, %mul3A_10, %dma_wait3A_92] : memref<2x10240x128xf32, #tpu.memory_space<hbm>> -> memref<1x640x128xf32, #tpu.memory_space<hbm>>
      %dma_wait3A_94 = tpu.memref_squeeze %dma_wait3A_93 : memref<1x640x128xf32, #tpu.memory_space<hbm>> -> memref<640x128xf32, #tpu.memory_space<hbm>>
      %dma_wait3A_95 = arith.constant 0 : i32
      %dma_wait3A_96 = tpu.memref_slice %arg18[%mul3A_10, %dma_wait3A_95] : memref<10240x128xf32, #tpu.memory_space<vmem_shared>> -> memref<640x128xf32, #tpu.memory_space<vmem_shared>>
      tpu.wait_dma2 semaphore(%run_scoped3A : memref<!tpu.dma_semaphore, #tpu.memory_space<semaphore_mem>>) src(%dma_wait3A_96 : memref<640x128xf32, #tpu.memory_space<vmem_shared>>) dst(%dma_wait3A_94 : memref<640x128xf32, #tpu.memory_space<hbm>>)
      tpu.yield
    }) : () -> ()
    return
  }
}

module attributes {stable_mosaic.version = 14 : i64} {
  func.func @_tc_body(%arg0: i32, %arg1: memref<1024x128xf32, #tpu.memory_space<vmem>>, %arg2: memref<2x1024x128xf32, #tpu.memory_space<vmem>>, %arg3: memref<2x1024x128xf32, #tpu.memory_space<vmem>>, %arg4: memref<128x256xf32, #tpu.memory_space<vmem>>, %arg5: memref<128x256xf32, #tpu.memory_space<vmem>>, %arg6: memref<1024x256xf32, #tpu.memory_space<vmem>>) attributes {dimension_semantics = [#tpu.dimension_semantics<arbitrary>], iteration_bounds = array<i64: 10>, scalar_prefetch = 0 : i64, scratch_operands = 0 : i64, tpu.core_type = #tpu.core_type<tc>, window_params = [{transform_indices = @transform_0, window_bounds = array<i64: 1024, 128>}, {transform_indices = @transform_1, window_bounds = array<i64: 2, 1024, 128>}, {transform_indices = @transform_2, window_bounds = array<i64: 2, 1024, 128>}, {pipeline_mode = #tpu.pipeline_mode<synchronous>, transform_indices = @transform_3, window_bounds = array<i64: 128, 256>}, {pipeline_mode = #tpu.pipeline_mode<synchronous>, transform_indices = @transform_4, window_bounds = array<i64: 128, 256>}, {transform_indices = @transform_5, window_bounds = array<i64: 1024, 256>}]} {
    %get3A = arith.constant 0 : index
    %get3A_0 = arith.constant 0 : index
    %get3A_1 = arith.constant 0 : index
    %get3A_2 = vector.load %arg2[%get3A, %get3A_0, %get3A_1] : memref<2x1024x128xf32, #tpu.memory_space<vmem>>, vector<1x1024x128xf32>
    %get3A_3 = vector.shape_cast %get3A_2 : vector<1x1024x128xf32> to vector<1024x128xf32>
    %get3A_4 = arith.constant 1 : index
    %get3A_5 = arith.constant 0 : index
    %get3A_6 = arith.constant 0 : index
    %get3A_7 = vector.load %arg2[%get3A_4, %get3A_5, %get3A_6] : memref<2x1024x128xf32, #tpu.memory_space<vmem>>, vector<1x1024x128xf32>
    %get3A_8 = vector.shape_cast %get3A_7 : vector<1x1024x128xf32> to vector<1024x128xf32>
    %add3A = arith.addf %get3A_3, %get3A_8 : vector<1024x128xf32>
    %get3A_9 = arith.constant 0 : index
    %get3A_10 = arith.constant 0 : index
    %get3A_11 = arith.constant 0 : index
    %get3A_12 = vector.load %arg3[%get3A_9, %get3A_10, %get3A_11] : memref<2x1024x128xf32, #tpu.memory_space<vmem>>, vector<1x1024x128xf32>
    %get3A_13 = vector.shape_cast %get3A_12 : vector<1x1024x128xf32> to vector<1024x128xf32>
    %get3A_14 = arith.constant 1 : index
    %get3A_15 = arith.constant 0 : index
    %get3A_16 = arith.constant 0 : index
    %get3A_17 = vector.load %arg3[%get3A_14, %get3A_15, %get3A_16] : memref<2x1024x128xf32, #tpu.memory_space<vmem>>, vector<1x1024x128xf32>
    %get3A_18 = vector.shape_cast %get3A_17 : vector<1x1024x128xf32> to vector<1024x128xf32>
    %add3A_19 = arith.addf %get3A_13, %get3A_18 : vector<1024x128xf32>
    %max3A = arith.constant 1.000000e+00 : f32
    %max3A_20 = vector.broadcast %max3A : f32 to vector<1024x128xf32>
    %max3A_21 = arith.maximumf %add3A_19, %max3A_20 : vector<1024x128xf32>
    %div3A = arith.constant 1.000000e+00 : f32
    %div3A_22 = vector.broadcast %div3A : f32 to vector<1024x128xf32>
    %div3A_23 = arith.divf %div3A_22, %max3A_21 : vector<1024x128xf32>
    %mul3A = arith.mulf %add3A, %div3A_23 : vector<1024x128xf32>
    %get3A_24 = arith.constant 0 : index
    %get3A_25 = arith.constant 0 : index
    %get3A_26 = vector.load %arg4[%get3A_24, %get3A_25] : memref<128x256xf32, #tpu.memory_space<vmem>>, vector<128x256xf32>
    %dot_general3A = arith.constant dense<0.000000e+00> : vector<1024x256xf32>
    %dot_general3A_27 = tpu.matmul %mul3A, %get3A_26, %dot_general3A {dimension_numbers = #tpu.dot_dimension_numbers<[1], [0], [0], [1], [0, 0, 1, 1], [], []>, transpose_lhs_hint = false} : vector<1024x128xf32>, vector<128x256xf32>, vector<1024x256xf32> -> vector<1024x256xf32>
    %get3A_28 = arith.constant 0 : index
    %get3A_29 = arith.constant 0 : index
    %get3A_30 = vector.load %arg1[%get3A_28, %get3A_29] : memref<1024x128xf32, #tpu.memory_space<vmem>>, vector<1024x128xf32>
    %get3A_31 = arith.constant 0 : index
    %get3A_32 = arith.constant 0 : index
    %get3A_33 = vector.load %arg5[%get3A_31, %get3A_32] : memref<128x256xf32, #tpu.memory_space<vmem>>, vector<128x256xf32>
    %dot_general3A_34 = arith.constant dense<0.000000e+00> : vector<1024x256xf32>
    %dot_general3A_35 = tpu.matmul %get3A_30, %get3A_33, %dot_general3A_34 {dimension_numbers = #tpu.dot_dimension_numbers<[1], [0], [0], [1], [0, 0, 1, 1], [], []>, transpose_lhs_hint = false} : vector<1024x128xf32>, vector<128x256xf32>, vector<1024x256xf32> -> vector<1024x256xf32>
    %add3A_36 = arith.addf %dot_general3A_27, %dot_general3A_35 : vector<1024x256xf32>
    %swap3A = arith.constant 0 : index
    %swap3A_37 = arith.constant 0 : index
    %swap3A_38 = vector.load %arg6[%swap3A, %swap3A_37] : memref<1024x256xf32, #tpu.memory_space<vmem>>, vector<1024x256xf32>
    tpu.vector_store %arg6[%swap3A, %swap3A_37], %add3A_36 {strides = array<i32>} : memref<1024x256xf32, #tpu.memory_space<vmem>>, vector<1024x256xf32>,
    return
  }
  func.func @transform_0(%arg0: i32) -> (i32, i32) {
    %c0_i32 = arith.constant 0 : i32
    %c0_i32_0 = arith.constant 0 : i32
    return %arg0, %c0_i32 : i32, i32
  }
  func.func @transform_1(%arg0: i32) -> (i32, i32, i32) {
    %c0_i32 = arith.constant 0 : i32
    %c0_i32_0 = arith.constant 0 : i32
    %c0_i32_1 = arith.constant 0 : i32
    return %c0_i32, %arg0, %c0_i32_0 : i32, i32, i32
  }
  func.func @transform_2(%arg0: i32) -> (i32, i32, i32) {
    %c0_i32 = arith.constant 0 : i32
    %c0_i32_0 = arith.constant 0 : i32
    %c0_i32_1 = arith.constant 0 : i32
    return %c0_i32, %arg0, %c0_i32_0 : i32, i32, i32
  }
  func.func @transform_3(%arg0: i32) -> (i32, i32) {
    %c0_i32 = arith.constant 0 : i32
    %c0_i32_0 = arith.constant 0 : i32
    %c0_i32_1 = arith.constant 0 : i32
    return %c0_i32, %c0_i32_0 : i32, i32
  }
  func.func @transform_4(%arg0: i32) -> (i32, i32) {
    %c0_i32 = arith.constant 0 : i32
    %c0_i32_0 = arith.constant 0 : i32
    %c0_i32_1 = arith.constant 0 : i32
    return %c0_i32, %c0_i32_0 : i32, i32
  }
  func.func @transform_5(%arg0: i32) -> (i32, i32) {
    %c0_i32 = arith.constant 0 : i32
    %c0_i32_0 = arith.constant 0 : i32
    return %arg0, %c0_i32 : i32, i32
  }
}

</mosaic_0001>

<sc_bundles>
// kernel: sc_degree.3.cloned.1.call-start
scs
__scs_entry_jumppad:
0x0: {  	(pc) =	sbr.rel $0x88, $3  }
0x1: {  	(tag) =	ssettag $0x0;
	lr =	simm.s32 $0x1  }
0x2: {  	[smem:$0x3F9D] =	sst lr;
	_ =	strace $0xD0000000  }
0x3: {  	_ = 	snop  }
0x4: {  	_ = 	snop  }
0x5: {  	_ = 	snop  }
0x6: {  	_ = 	snop  }
0x7: {  	_ = 	snop  }
__scs_overlays_trampoline_lowered:
0x8: {  	[smem:$0x3FAC] =	sst s0  }
0x9: {  	[smem:$0x3FAD] =	sst s1  }
0xa: {  	[smem:$0x3FAE] =	sst s2  }
0xb: {  	[smem:$0x3FAF] =	sst s3  }
0xc: {  	[smem:$0x3FB0] =	sst s4  }
0xd: {  	[smem:$0x3FB1] =	sst s5  }
0xe: {  	[smem:$0x3FB2] =	sst s6  }
0xf: {  	[smem:$0x3FB3] =	sst s7  }
0x10: {  	[smem:$0x3FB4] =	sst s8  }
0x11: {  	[smem:$0x3FB5] =	sst s9;
	s0 =	simm.s32 @!p0 $0x0  }
0x12: {  	s1 =	sld [smem:$0x3F9B];
	s0 =	simm.s32 @p0 $0x1  }
0x13: {  	[smem:$0x3FB6] =	sst s0;
	s0 =	simm.s32 @!p1 $0x0  }
0x14: {  	s2 =	sld [smem:$0x3F9A];
	s0 =	simm.s32 @p1 $0x1  }
0x15: {  	[smem:$0x3FB7] =	sst s0;
	s0 =	simm.s32 @!p2 $0x0  }
0x16: {  	s3 =	sld [smem:$0x3FDB];
	s0 =	simm.s32 @p2 $0x1  }
0x17: {  	s4 =	simm.s32 $0x1BF5;
	[smem:$0x3FB9] =	sst s0  }
0x18: {  	s0 =	sld [smem:$0x3F9C];
	_ =	swait.ge [sflag:s4], $0x0  }
0x19: {  	s7 =	sld [smem:$0x3F9D]  }
0x1a: {  	s8 =	sadd.s32 $0xFFFFE003, lr  }
0x1b: {  	s9 =	sadd.s32 $0xFFFFFEF7, lr;
	s5 =	simm.s32 $0xFFFFFFFF;
	p2 =	slt.u32 s8, $0xFFFFF086  }
0x1c: {  	p1 =	slt.u32 s9, $0xF7A;
	s5 =	simm.s32 @!p2 $0x0  }
0x1d: {  	s5 =	simm.s32 @p1 $0x1;
	p0 =	seq.s32 s7, s2  }
0x1e: {  	s7 =	smul.u32 @!p0 $0xF7A, s2;
	p2 =	seq.s32 @!p0 s5, $0x0  }
0x1f: {  	s9 =	smul.u32 $0xF7A, s1;
	s8 =	simm.s32 @!p0 $0x1BF5;
	p2 =	por !p2, p0  }
0x20: {  	[sflag:s8] =	ssyncset.s32 @!p0 $0xFFFFF086;
	s6 =	sadd.s32 @!p0 s3, s7;
	s7 =	simm.s32 @!p0 $0x108  }
0x21: {  	s3 =	sadd.s32 s3, s9;
	s6 =	sadd.s32 @!p0 $0x88, s6;
	s7 =	simm.s32 @p2 $0x1082  }
0x22: {  	[simem:s7], [sflag:s8] =	dma.local @!p0 [hbm:s6], $0xF7A  }
0x23: {  	s9 =	sor.u32 $0xD0000000, s2;
	s6 =	simm.s32 $0x108;
	_ =	swait.ge @!p0 [sflag:s8], $0x0  }
0x24: {  	s3 =	sadd.s32 $0x88, s3;
	s6 =	simm.s32 @!p1 $0x1082;
	[sflag:s4] =	ssyncset.s32 $0xFFFFF086  }
0x25: {  	[simem:s6], [sflag:s4] =	dma.local [hbm:s3], $0xF7A  }
0x26: {  	[smem:$0x3F9D] =	sst s1;
	(tag) =	ssettag s2;
	_ =	strace s9  }
0x27: {  	s1 =	sld [smem:$0x3FAD]  }
0x28: {  	s2 =	sld [smem:$0x3FAE]  }
0x29: {  	s4 =	sld [smem:$0x3FB0]  }
0x2a: {  	p0 =	seq.s32 s5, $0x0;
	s5 =	sld [smem:$0x3FB1]  }
0x2b: {  	s6 =	sld [smem:$0x3FB2]  }
0x2c: {  	s7 =	sld [smem:$0x3FB3]  }
0x2d: {  	s3 =	simm.s32 $0x108;
	s8 =	sld [smem:$0x3FB4]  }
0x2e: {  	s3 =	simm.s32 @!p0 $0x1082;
	s9 =	sld [smem:$0x3FB5]  }
0x2f: {  	lr =	sadd.s32 s0, s3;
	s0 =	sld [smem:$0x3FAC]  }
0x30: {  	s3 =	sld [smem:$0x3FAF]  }
0x31: {  	[smem:$0x3FB8] =	sst s10  }
0x32: {  	s10 =	sld [smem:$0x3FB6];
	_ =	sdelay $0x3  }
0x33: {  	p0 =	seq.s32 s10, $0x1;
	s10 =	sld [smem:$0x3FB8];
	_ =	sdelay $0x3  }
0x34: {  	[smem:$0x3FB8] =	sst s10  }
0x35: {  	s10 =	sld [smem:$0x3FB7];
	_ =	sdelay $0x3  }
0x36: {  	p1 =	seq.s32 s10, $0x1;
	s10 =	sld [smem:$0x3FB8];
	_ =	sdelay $0x3  }
0x37: {  	[smem:$0x3FB8] =	sst s10  }
0x38: {  	s10 =	sld [smem:$0x3FB9]  }
0x39: {  	_ = 	snop;
	(pc) =	sbr.ind lr, $3  }
0x3a: {  	_ = 	snop  }
0x3b: {  	_ = 	snop  }
0x3c: {  	p2 =	seq.s32 s10, $0x1;
	s10 =	sld [smem:$0x3FB8]  }
0x3d: {  	_ =	shalt  }
0x3e: {  	_ =	shalt  }
0x3f: {  	_ =	shalt  }
0x40: {  	_ =	shalt  }
0x41: {  	_ =	shalt  }
0x42: {  	_ =	shalt  }
0x43: {  	_ =	shalt  }
0x44: {  	_ =	shalt  }
0x45: {  	_ =	shalt  }
0x46: {  	_ =	shalt  }
0x47: {  	_ =	shalt  }
0x48: {  	_ =	shalt  }
0x49: {  	_ =	shalt  }
0x4a: {  	_ =	shalt  }
0x4b: {  	_ =	shalt  }
0x4c: {  	_ =	shalt  }
0x4d: {  	_ =	shalt  }
0x4e: {  	_ =	shalt  }
0x4f: {  	_ =	shalt  }
0x50: {  	_ =	shalt  }
0x51: {  	_ =	shalt  }
0x52: {  	_ =	shalt  }
0x53: {  	_ =	shalt  }
0x54: {  	_ =	shalt  }
0x55: {  	_ =	shalt  }
0x56: {  	_ =	shalt  }
0x57: {  	_ =	shalt  }
0x58: {  	_ =	shalt  }
0x59: {  	_ =	shalt  }
0x5a: {  	_ =	shalt  }
0x5b: {  	_ =	shalt  }
0x5c: {  	_ =	shalt  }
0x5d: {  	_ =	shalt  }
0x5e: {  	_ =	shalt  }
0x5f: {  	_ =	shalt  }
0x60: {  	_ =	shalt  }
0x61: {  	_ =	shalt  }
0x62: {  	_ =	shalt  }
0x63: {  	_ =	shalt  }
0x64: {  	_ =	shalt  }
0x65: {  	_ =	shalt  }
0x66: {  	_ =	shalt  }
0x67: {  	_ =	shalt  }
0x68: {  	_ =	shalt  }
0x69: {  	_ =	shalt  }
0x6a: {  	_ =	shalt  }
0x6b: {  	_ =	shalt  }
0x6c: {  	_ =	shalt  }
0x6d: {  	_ =	shalt  }
0x6e: {  	_ =	shalt  }
0x6f: {  	_ =	shalt  }
0x70: {  	_ =	shalt  }
0x71: {  	_ =	shalt  }
0x72: {  	_ =	shalt  }
0x73: {  	_ =	shalt  }
0x74: {  	_ =	shalt  }
0x75: {  	_ =	shalt  }
0x76: {  	_ =	shalt  }
0x77: {  	_ =	shalt  }
0x78: {  	_ =	shalt  }
0x79: {  	_ =	shalt  }
0x7a: {  	_ =	shalt  }
0x7b: {  	_ =	shalt  }
0x7c: {  	_ =	shalt  }
0x7d: {  	_ =	shalt  }
0x7e: {  	_ =	shalt  }
0x7f: {  	_ =	shalt  }
0x80: {  	_ =	shalt  }
0x81: {  	_ =	shalt  }
0x82: {  	_ =	shalt  }
0x83: {  	_ =	shalt  }
0x84: {  	_ =	shalt  }
0x85: {  	_ =	shalt  }
0x86: {  	_ =	shalt  }
0x87: {  	_ =	shalt  }
.Lfunc_end0:
.L_simem_size_0:
called_computation.1_lowered:
.L_overlay_start_0:
0x88: {  	s2 =	sld [smem:$0x3FD9]  }
0x89: {  	s3 =	sld [smem:$0x3FFE];
	_ =	sdelay $0x1  }
0x8a: {  	s1 =	srdreg.scid  }
0x8b: {  	s0 =	sand.u32 $0x1, s1  }
0x8c: {  	s17 =	sshll.u32 s0, $0xA;
	s2 =	sadd.s32 s3, s2  }
0x8d: {  	s2 =	sadd.s32 s2, s17  }
0x8e: {  	[smem:$0x3FC4] =	sst s2  }
0x8f: {  	_ = 	snop  }
0x90: {  	s18 =	sld [smem:$0x3FD0];
	(tm) =	ssettm $0x1  }
0x91: {  	s19 =	sld [smem:$0x3FFB];
	_ =	sdelay $0x3  }
0x92: {  	_ =	strace s19  }
0x93: {  	s2 =	sld [smem:$0x3FFC];
	_ =	sdelay $0x3  }
0x94: {  	_ =	strace s2  }
0x95: {  	s2 =	sld [smem:$0x3FFD];
	_ =	sdelay $0x3  }
0x96: {  	_ =	strace s2  }
0x97: {  	_ =	strace $0x8FFFFFFF  }
0x98: {  	s20 =	sld [smem:$0x3FDB];
	_ =	sdelay $0x1  }
0x99: {  	s4 =	simm.s32 $_scs_section_size  }
0x9a: {  	s5 =	simm.s32 $_size__tile_overlayer_lowered;
	s6 =	simm.s32 $_tile_overlayer_lowered  }
0x9b: {  	s7 =	simm.s32 $0x1BFF;
	s21 =	sshll.u32 s6, $0x1;
	s4 =	sadd.s32 s4, s20  }
0x9c: {  	s22 =	simm.s32 $0x0;
	s5 =	sshll.u32 s5, $0x1;
	s6 =	sadd.s32 s21, s4  }
0x9d: {  	[timem:s22], [sflag:s7] =	dma.local [hbm:s6], s5  }
0x9e: {  	_ =	swait.ge [sflag:s7], s5  }
0x9f: {  	s5 =	ssub.s32 $0x0, s5;
	[sflag:s7] =	ssyncset.done $0x0  }
0xa0: {  	[sflag:s7] =	ssyncadd.s32 s5;
	_ =	sdelay $0x1  }
0xa1: {  	s23 =	simm.s32 $0x1B8B  }
0xa2: {  	_ =	swait.ge [sflag:s23], $0x1  }
0xa3: {  	[sflag:s23] =	ssyncset.done $0x0  }
0xa4: {  	[sflag:s23] =	ssyncadd.s32 $0xFFFFFFFF  }
0xa5: {  	s5 =	sld [smem:$0x0]  }
0xa6: {  	s6 =	sand.u32 $0xFFFFFFFE, s1  }
0xa7: {  	p0 =	sne.s32 s1, s6  }
0xa8: {  	s6 =	sshll.u32 @p0 s6, $0xE  }
0xa9: {  	s6 =	sadd.s32 @p0 $0x11B8D, s6;
	s7 =	sshll.u32 @p0 s5, $0x11  }
0xaa: {  	s6 =	sor.u32 @p0 s7, s6  }
0xab: {  	[sflag:s6] =	ssyncadd.remote.s32 @p0 $0x1;
	_ =	sdelay $0x1  }
0xac: {  	s6 =	simm.s32 @p0 $0x1B8D  }
0xad: {  	_ =	swait.eq @p0 [sflag:s6], $0x1  }
0xae: {  	[sflag:s6] =	ssyncadd.s32 @p0 $0xFFFFFFFF  }
0xaf: {  	s7 =	sshll.u32 @!p0 s1, $0xE  }
0xb0: {  	s7 =	sor.u32 @!p0 $0x4000, s7;
	s6 =	simm.s32 @!p0 $0x1B8D  }
0xb1: {  	s5 =	sshll.u32 @!p0 s5, $0x11;
	s7 =	sadd.s32 @!p0 $0x11B8D, s7;
	_ =	swait.eq @!p0 [sflag:s6], $0x1  }
0xb2: {  	s5 =	sor.u32 @!p0 s5, s7;
	[sflag:s6] =	ssyncadd.s32 @!p0 $0xFFFFFFFF  }
0xb3: {  	s25 =	simm.s32 $0x1B8E;
	s24 =	sld [smem:$0x3FFE];
	[sflag:s5] =	ssyncadd.remote.s32 @!p0 $0x1  }
0xb4: {  	s26 =	simm.s32 $execute0_lowered;
	[smem:$0x3FD2] =	sst s25  }
0xb5: {  	s6 =	sshll.u32 s26, $0x1;
	_ =	strace $0x80000049;
	[dreg:$0x1] =	wrdreg $0xFFFFFFFF  }
0xb6: {  	s28 =	simm.s32 $_size_execute0_lowered;
	s4 =	sadd.s32 s4, s6;
	[dreg:$0x0] =	wrdreg $0x0  }
0xb7: {  	s6 =	sshll.u32 s28, $0x1;
	[dreg:$0x2] =	wrdreg s4  }
0xb8: {  	[dreg:$0x3] =	wrdreg s6  }
0xb9: {  	[dreg:$0x4] =	wrdreg $0xC0  }
0xba: {  	_ =	task [dreg:s22], $0x5FFFF  }
0xbb: {  	[dreg:$0x1] =	wrdreg $0xFFFFFFFF  }
0xbc: {  	[dreg:$0x0] =	wrdreg $0x60  }
0xbd: {  	[dreg:$0x2] =	wrdreg s18  }
0xbe: {  	[dreg:$0x3] =	wrdreg s24  }
0xbf: {  	[dreg:$0x4] =	wrdreg $0x69000  }
0xc0: {  	[dreg:$0x5] =	wrdreg $0xA  }
0xc1: {  	_ =	task.clear_ibuf [dreg:s22], $0x6FFFF;
	_ =	strace $0x90000049  }
0xc2: {  	s29 =	simm.s32 $0xA;
	_ =	strace $0x8000004B  }
0xc3: {  	_ =	swait.ge [sflag:s29], $0x1  }
0xc4: {  	[sflag:s29] =	ssyncadd.s32 $0xFFFFFFFF  }
0xc5: {  	_ =	strace $0x9000004B  }
0xc6: {  	_ =	sfence  }
0xc7: {  	s30 =	sld [smem:$0x0];
	_ =	sdelay $0x2  }
0xc8: {  	s31 =	sshll.u32 s1, $0xD;
	s1 =	sshrl.u32 s1, $0x2  }
0xc9: {  	s4 =	sand.u32 $0x4000, s31;
	s1 =	sadd.s32 s1, s30  }
0xca: {  	s0 =	sor.u32 s4, s0;
	s1 =	sshll.u32 s1, $0x11  }
0xcb: {  	s0 =	sor.u32 s1, s0  }
0xcc: {  	s0 =	sadd.s32 $0x8F2B, s0  }
0xcd: {  	[sflag:s0] =	ssyncadd.remote.s32 $0x1  }
0xce: {  	_ =	sfence.sel $0xFFFF  }
0xcf: {  	[dreg:$0x0] =	wrdreg $0xFFFFFFFF;
	(pc) =	sbr.abs _section_cstart, $3  }
0xd0: {  	[dreg:$0x1] =	wrdreg $0xFFFFFFFF  }
0xd1: {  	_ =	task.clear_ibuf [dreg:s22], $0x2FFFF;
	_ =	strace $0x9FFFFFFF  }
0xd2: {  	(tm) =	ssettm $0x7FFFFFFF  }
0xd3: {  	_ =	shalt  }
tec
execute0_lowered:
.L_overlay_start_1:
0x0: {  	(tag) =	ssettag $0x1  }
0x1: {  	s15 =	rddreg [dreg:$0x0]  }
0x2: {  	s4 =	rddreg [dreg:$0x1]  }
0x3: {  	s2 =	rddreg [dreg:$0x2]  }
0x4: {  	s0 =	srdreg.scid;
	s1 =	rddreg [dreg:$0x3];
	s3 =	simm.s32 $0x0  }
0x5: {  	s17 =	simm.s32 $0x3;
	s18 =	simm.s32 $0x50;
	s5 =	sand.u32 $0x1, s0  }
0x6: {  	s19 =	simm.s32 $0x100;
	s0 =	stileid.u32;
	s6 =	smul.u32 $0x140000, s5  }
0x7: {  	s20 =	simm.s32 $0x80;
	s21 =	simm.s32 $0x1;
	s7 =	smul.u32 $0x14000, s0  }
0x8: {  	s22 =	simm.s32 $0x2;
	s23 =	simm.s32 $0x0;
	s8 =	smul.u32 $0x50000, s0  }
0x9: {  	[smem:$0x7FF] =	sst s3;
	s25 =	sshll.u32 s5, $0x4;
	s11 =	smul.u32 $0x27100, s5  }
0xa: {  	_ =	strace $0x8000004A;
	s28 =	ssub.s32 $0x2, s5;
	s13 =	smul.u32 $0x2710, s0  }
0xb: {  	s26 =	sor.u32 s0, s25;
	s9 =	sshrl.u32 s28, $0x1;
	s6 =	sadd.s32 s7, s6  }
0xc: {  	s29 =	sshrl.u32 s8, $0x2;
	s30 =	smul.u32 $0x2710, s26;
	s12 =	ssub.s32 s28, s9  }
0xd: {  	s13 =	sadd.s32 s13, s11;
	s6 =	sshrl.u32 s6, $0x3;
	s11 =	smax.u32 s12, $0x1  }
0xe: {  	s14 =	sadd.s32 $0xF0, s13;
	s16 =	sadd.s32 $0x140, s13;
	s10 =	sadd.s32 s6, s4  }
0xf: {  	s4 =	sadd.s32 s29, s2;
	s31 =	sshrl.u32 s30, $0x3;
	s14 =	sshrl.u32 s14, $0x3  }
0x10: {  	s16 =	sshrl.u32 s16, $0x3;
	s5 =	sadd.s32 $0x4000, s4;
	s6 =	sadd.s32 $0x8000, s4  }
0x11: {  	s7 =	sadd.s32 $0xC000, s4;
	s8 =	sadd.s32 $0x10000, s4;
	s9 =	sadd.s32 s15, s31  }
0x12: {  	s10 =	sadd.s32 $0x5AC00, s10;
	s14 =	sadd.s32 s14, s15;
	s15 =	sadd.s32 s16, s15  }
0x13: {  	v0 =	vimm.f32 $1.000000000e+00;
	v1 =	vimm.f32 $0.0e+00;
	s16 =	simm.s32 $0x2900;
	s12 =	sadd.s32 $0xA, s9;
	s13 =	sadd.s32 $0x14, s9  }
.LBB2_1:
0x14: {  	s24 =	simm.s32 $0x70;
	s25 =	simm.s32 $0x3C0  }
.LBB2_2:
0x15: {  	p0 =	sne.s32 s25, $0x9FC0;
	[tilespmem:s24+$0x100] =	vst v0  }
0x16: {  	[tilespmem:s24+$0x90] =	vst v0  }
0x17: {  	[tilespmem:s24+$0xA0] =	vst v0  }
.Ltmp0:
0x18: {  	[tilespmem:s24+$0xB0] =	vst v0;
	(pc) =	sbr.rel @p0 .LBB2_2-.Ltmp0, $4  }
0x19: {  	[tilespmem:s24+$0xC0] =	vst v0  }
0x1a: {  	[tilespmem:s24+$0xD0] =	vst v0  }
0x1b: {  	[tilespmem:s24+$0xE0] =	vst v0  }
0x1c: {  	[tilespmem:s24+$0xF0] =	vst v0;
	s24 =	sshra.s32 s25, $0x2;
	s25 =	sadd.s32 $0x200, s25  }
0x1d: {  	[tilespmem:s24+$0x100] =	vst v0  }
0x1e: {  	[tilespmem:s24+$0x90] =	vst v0  }
0x1f: {  	[tilespmem:s24+$0xA0] =	vst v0  }
0x20: {  	[tilespmem:s24+$0xB0] =	vst v0  }
0x21: {  	[tilespmem:s24+$0xC0] =	vst v0  }
0x22: {  	[tilespmem:s24+$0xD0] =	vst v0  }
0x23: {  	[tilespmem:s24+$0xE0] =	vst v0  }
0x24: {  	[tilespmem:s24+$0xF0] =	vst v0;
	s24 =	simm.s32 $0x0;
	s25 =	simm.s32 $0x200  }
.LBB2_4:
0x25: {  	p0 =	sne.s32 s25, $0xFE00;
	[tilespmem:s24+$0x2970] =	vst v1  }
0x26: {  	[tilespmem:s24+$0x2900] =	vst v1  }
0x27: {  	[tilespmem:s24+$0x2910] =	vst v1  }
.Ltmp1:
0x28: {  	[tilespmem:s24+$0x2920] =	vst v1;
	(pc) =	sbr.rel @p0 .LBB2_4-.Ltmp1, $4  }
0x29: {  	[tilespmem:s24+$0x2930] =	vst v1  }
0x2a: {  	[tilespmem:s24+$0x2940] =	vst v1  }
0x2b: {  	[tilespmem:s24+$0x2950] =	vst v1  }
0x2c: {  	[tilespmem:s24+$0x2960] =	vst v1;
	s24 =	sshra.s32 s25, $0x2;
	s25 =	sadd.s32 $0x200, s25  }
0x2d: {  	[tilespmem:s24+$0x2970] =	vst v1  }
0x2e: {  	[tilespmem:s24+$0x2900] =	vst v1  }
0x2f: {  	[tilespmem:s24+$0x2910] =	vst v1  }
0x30: {  	[tilespmem:s24+$0x2920] =	vst v1  }
0x31: {  	[tilespmem:s24+$0x2930] =	vst v1  }
0x32: {  	[tilespmem:s24+$0x2940] =	vst v1  }
0x33: {  	[tilespmem:s24+$0x2950] =	vst v1  }
0x34: {  	[tilespmem:s24+$0x2960] =	vst v1  }
0x35: {  	[spmem:s4] =	stream.linear.scatter [tilespmem:s16], [sflag:$0x3], $0x4000, $0x38;
	[tilespmem:$0x1A900] =	vst v63  }
0x36: {  	_ =	swait.ge [sflag:s17], $0x4000  }
0x37: {  	[sflag:s17] =	ssyncset.done $0x0  }
0x38: {  	[sflag:s17] =	ssyncadd.s32 $0xFFFFC000  }
0x39: {  	[spmem:s5] =	stream.linear.scatter [tilespmem:s16], [sflag:$0x3], $0x4000, $0x38;
	[tilespmem:$0x1A900] =	vst v63  }
0x3a: {  	_ =	swait.ge [sflag:s17], $0x4000  }
0x3b: {  	[sflag:s17] =	ssyncset.done $0x0  }
0x3c: {  	[sflag:s17] =	ssyncadd.s32 $0xFFFFC000  }
0x3d: {  	[spmem:s6] =	stream.linear.scatter [tilespmem:s16], [sflag:$0x3], $0x4000, $0x38;
	[tilespmem:$0x1A900] =	vst v63  }
0x3e: {  	_ =	swait.ge [sflag:s17], $0x4000  }
0x3f: {  	[sflag:s17] =	ssyncset.done $0x0  }
0x40: {  	[sflag:s17] =	ssyncadd.s32 $0xFFFFC000  }
0x41: {  	[spmem:s7] =	stream.linear.scatter [tilespmem:s16], [sflag:$0x3], $0x4000, $0x38;
	[tilespmem:$0x1A900] =	vst v63  }
0x42: {  	_ =	swait.ge [sflag:s17], $0x4000  }
0x43: {  	[sflag:s17] =	ssyncset.done $0x0  }
0x44: {  	[sflag:s17] =	ssyncadd.s32 $0xFFFFC000  }
0x45: {  	[spmem:s8] =	stream.linear.scatter [tilespmem:s16], [sflag:$0x3], $0x4000, $0x38;
	[tilespmem:$0x1A900] =	vst v63  }
0x46: {  	_ =	swait.ge [sflag:s17], $0x4000  }
0x47: {  	[sflag:s17] =	ssyncset.done $0x0  }
0x48: {  	[sflag:s17] =	ssyncadd.s32 $0xFFFFC000  }
0x49: {  	s29 =	simm.s32 $0x0;
	[bflag:$0x0] =	sbarrier.arrive $0xFFFF  }
0x4a: {  	[tilespmem:s29], [sflag:$0x3] =	stream.linear.gather [hbm4b:s9+s29], $0x50, $0x38;
	[tilespmem:$0x1A900] =	vst v63  }
0x4b: {  	_ =	swait.ge [sflag:s17], $0x50  }
0x4c: {  	[sflag:s17] =	ssyncset.done $0x0  }
0x4d: {  	[sflag:s17] =	ssyncadd.s32 $0xFFFFFFB0  }
0x4e: {  	[spmem:s2] =	stream.indirect.scatter.add.f32 [tilespmem:s19], [sflag:$0x1], $0x80, s29, s18, $0xb8;
	[tilespmem:$0x1A900] =	vst v63  }
0x4f: {  	_ = 	snop  }
0x50: {  	[tilespmem:s20], [sflag:$0x3] =	stream.linear.gather [hbm4b:s12+s29], $0x50, $0x38;
	[tilespmem:$0x1A900] =	vst v63  }
0x51: {  	_ =	swait.ge [sflag:s17], $0x50  }
0x52: {  	[sflag:s17] =	ssyncset.done $0x0  }
0x53: {  	[sflag:s17] =	ssyncadd.s32 $0xFFFFFFB0  }
0x54: {  	[spmem:s2] =	stream.indirect.scatter.add.f32 [tilespmem:s19], [sflag:$0x2], $0x80, s20, s18, $0xb8;
	[tilespmem:$0x1A900] =	vst v63  }
0x55: {  	_ =	swait.ge [sflag:s21], $0x2800  }
0x56: {  	[sflag:s21] =	ssyncset.done $0x0  }
0x57: {  	[sflag:s21] =	ssyncadd.s32 $0xFFFFD800  }
0x58: {  	[tilespmem:s29], [sflag:$0x3] =	stream.linear.gather [hbm4b:s13+s29], $0x50, $0x38;
	[tilespmem:$0x1A900] =	vst v63  }
0x59: {  	_ =	swait.ge [sflag:s17], $0x50  }
0x5a: {  	[sflag:s17] =	ssyncset.done $0x0  }
0x5b: {  	[sflag:s17] =	ssyncadd.s32 $0xFFFFFFB0  }
0x5c: {  	[spmem:s2] =	stream.indirect.scatter.add.f32 [tilespmem:s19], [sflag:$0x1], $0x80, s29, s18, $0xb8;
	[tilespmem:$0x1A900] =	vst v63  }
0x5d: {  	_ =	swait.ge [sflag:s22], $0x2800  }
0x5e: {  	[sflag:s22] =	ssyncset.done $0x0  }
0x5f: {  	s30 =	sadd.s32 $0x0, s14;
	[sflag:s22] =	ssyncadd.s32 $0xFFFFD800  }
0x60: {  	[tilespmem:s20], [sflag:$0x3] =	stream.linear.gather [hbm4b:s30+s3], $0x50, $0x38;
	[tilespmem:$0x1A900] =	vst v63  }
0x61: {  	_ =	swait.ge [sflag:s17], $0x50  }
0x62: {  	[sflag:s17] =	ssyncset.done $0x0  }
0x63: {  	[sflag:s17] =	ssyncadd.s32 $0xFFFFFFB0  }
0x64: {  	[spmem:s2] =	stream.indirect.scatter.add.f32 [tilespmem:s19], [sflag:$0x2], $0x80, s20, s18, $0xb8;
	[tilespmem:$0x1A900] =	vst v63  }
0x65: {  	_ =	swait.ge [sflag:s21], $0x2800  }
0x66: {  	[sflag:s21] =	ssyncset.done $0x0  }
0x67: {  	s31 =	sadd.s32 $0x0, s15;
	[sflag:s21] =	ssyncadd.s32 $0xFFFFD800  }
0x68: {  	[tilespmem:s3], [sflag:$0x3] =	stream.linear.gather [hbm4b:s31+s3], $0x50, $0x38;
	[tilespmem:$0x1A900] =	vst v63  }
0x69: {  	_ =	swait.ge [sflag:s17], $0x50  }
0x6a: {  	[sflag:s17] =	ssyncset.done $0x0  }
0x6b: {  	s24 =	simm.s32 $0x14;
	[sflag:s17] =	ssyncadd.s32 $0xFFFFFFB0  }
.LBB2_6:
0x6c: {  	[spmem:s2] =	stream.indirect.scatter.add.f32 [tilespmem:s19], [sflag:$0x1], $0x80, s3, s18, $0xb8;
	[tilespmem:$0x1A900] =	vst v63  }
0x6d: {  	s25 =	smov.u32 s24  }
0x6e: {  	p0 =	sne.s32 s24, $0x4B0;
	s24 =	sadd.s32 $0x14, s24;
	_ =	swait.ge [sflag:s22], $0x2800  }
0x6f: {  	[sflag:s22] =	ssyncset.done $0x0  }
0x70: {  	s26 =	sadd.s32 s25, s14;
	[sflag:s22] =	ssyncadd.s32 $0xFFFFD800  }
0x71: {  	[tilespmem:s20], [sflag:$0x3] =	stream.linear.gather [hbm4b:s26+s3], $0x50, $0x38;
	[tilespmem:$0x1A900] =	vst v63  }
0x72: {  	_ =	swait.ge [sflag:s17], $0x50  }
0x73: {  	[sflag:s17] =	ssyncset.done $0x0  }
0x74: {  	[sflag:s17] =	ssyncadd.s32 $0xFFFFFFB0  }
0x75: {  	[spmem:s2] =	stream.indirect.scatter.add.f32 [tilespmem:s19], [sflag:$0x2], $0x80, s20, s18, $0xb8;
	[tilespmem:$0x1A900] =	vst v63  }
0x76: {  	_ =	swait.ge [sflag:s21], $0x2800  }
0x77: {  	[sflag:s21] =	ssyncset.done $0x0  }
.Ltmp2:
0x78: {  	s25 =	sadd.s32 s25, s15;
	[sflag:s21] =	ssyncadd.s32 $0xFFFFD800;
	(pc) =	sbr.rel @p0 .LBB2_6-.Ltmp2, $4  }
0x79: {  	[tilespmem:s3], [sflag:$0x3] =	stream.linear.gather [hbm4b:s25+s3], $0x50, $0x38;
	[tilespmem:$0x1A900] =	vst v63  }
0x7a: {  	_ =	swait.ge [sflag:s17], $0x50  }
0x7b: {  	[sflag:s17] =	ssyncset.done $0x0  }
0x7c: {  	[sflag:s17] =	ssyncadd.s32 $0xFFFFFFB0  }
0x7d: {  	[spmem:s2] =	stream.indirect.scatter.add.f32 [tilespmem:s19], [sflag:$0x1], $0x80, s3, s18, $0xb8;
	[tilespmem:$0x1A900] =	vst v63  }
0x7e: {  	_ =	swait.ge [sflag:s22], $0x2800  }
0x7f: {  	[sflag:s22] =	ssyncset.done $0x0  }
0x80: {  	[sflag:s22] =	ssyncadd.s32 $0xFFFFD800  }
0x81: {  	_ =	swait.ge [sflag:s21], $0x2800  }
0x82: {  	s24 =	sshll.u32 s0, $0x6;
	s23 =	sadd.s32 $0x1, s23;
	[sflag:s21] =	ssyncset.done $0x0  }
0x83: {  	s25 =	sshrl.u32 s4, $0x3;
	p0 =	sne.s32 s23, s11;
	[sflag:s21] =	ssyncadd.s32 $0xFFFFD800  }
.Ltmp3:
0x84: {  	s24 =	sor.u32 $0x1C03, s24;
	[bflag:$0x0] =	sbarrier.arrive $0xFFFF;
	(pc) =	sbr.rel @p0 .LBB2_1-.Ltmp3, $4  }
0x85: {  	[hbm:s10], [sflag:s24] =	dma.local [spmem:s25], $0x2800  }
0x86: {  	_ =	swait.ge [sflag:s17], $0x2800  }
0x87: {  	[sflag:s17] =	ssyncset.done $0x0  }
0x88: {  	[sflag:s17] =	ssyncadd.s32 $0xFFFFD800  }
0x89: {  	_ =	sfence.sel $0x180000  }
0x8a: {  	[bflag:$0x0] =	sbarrier.arrive $0xFFFF  }
0x8b: {  	p0 =	sne.s32 s0, $0x0;
	_ =	strace $0x9000004A  }
0x8c: {  	s0 =	sadd.s32 @!p0 $0x100000, s1;
	[bflag:$0x2] =	sbarrier.arrive $0xFFFF  }
0x8d: {  	[sflag:s0] =	ssyncadd.tile.s32 @!p0 $0x1;
	_ =	shalt  }
.Lfunc_end2:
_tile_overlayer_lowered:
.L_overlay_start_2:
0x8e: {  	(tag) =	ssettag $0x2  }
0x8f: {  	s0 =	rddreg [dreg:$0x0];
	s2 =	stileid.u32  }
0x90: {  	s1 =	rddreg [dreg:$0x1];
	p0 =	sne.s32 s2, $0x0  }
0x91: {  	s3 =	rddreg [dreg:$0x2];
	[bflag:$0x3] =	sbarrier.arrive $0xFFFF;
	s2 =	simm.s32 @!p0 $0x1C03  }
0x92: {  	[timem:s3], [sflag:s2] =	dma.local @!p0 [hbm:s0], s1  }
0x93: {  	s0 =	simm.s32 @!p0 $0x3  }
0x94: {  	_ =	swait.ge @!p0 [sflag:s0], s1  }
0x95: {  	s1 =	ssub.s32 @!p0 $0x0, s1;
	[sflag:s0] =	ssyncset.done @!p0 $0x0  }
0x96: {  	[sflag:s0] =	ssyncadd.s32 @!p0 s1  }
0x97: {  	[bflag:$0x3] =	sbarrier.arrive $0xFFFF  }
0x98: {  	_ =	shalt  }

// kernel: sc_edge_aggregate.3.cloned.1.call-start
scs
__scs_entry_jumppad:
0x0: {  	(pc) =	sbr.rel $0x88, $3  }
0x1: {  	(tag) =	ssettag $0x0;
	lr =	simm.s32 $0x1  }
0x2: {  	[smem:$0x3F9D] =	sst lr;
	_ =	strace $0xD0000000  }
0x3: {  	_ = 	snop  }
0x4: {  	_ = 	snop  }
0x5: {  	_ = 	snop  }
0x6: {  	_ = 	snop  }
0x7: {  	_ = 	snop  }
__scs_overlays_trampoline_lowered:
0x8: {  	[smem:$0x3FAC] =	sst s0  }
0x9: {  	[smem:$0x3FAD] =	sst s1  }
0xa: {  	[smem:$0x3FAE] =	sst s2  }
0xb: {  	[smem:$0x3FAF] =	sst s3  }
0xc: {  	[smem:$0x3FB0] =	sst s4  }
0xd: {  	[smem:$0x3FB1] =	sst s5  }
0xe: {  	[smem:$0x3FB2] =	sst s6  }
0xf: {  	[smem:$0x3FB3] =	sst s7  }
0x10: {  	[smem:$0x3FB4] =	sst s8  }
0x11: {  	[smem:$0x3FB5] =	sst s9;
	s0 =	simm.s32 @!p0 $0x0  }
0x12: {  	s1 =	sld [smem:$0x3F9B];
	s0 =	simm.s32 @p0 $0x1  }
0x13: {  	[smem:$0x3FB6] =	sst s0;
	s0 =	simm.s32 @!p1 $0x0  }
0x14: {  	s2 =	sld [smem:$0x3F9A];
	s0 =	simm.s32 @p1 $0x1  }
0x15: {  	[smem:$0x3FB7] =	sst s0;
	s0 =	simm.s32 @!p2 $0x0  }
0x16: {  	s3 =	sld [smem:$0x3FDB];
	s0 =	simm.s32 @p2 $0x1  }
0x17: {  	s4 =	simm.s32 $0x1BF5;
	[smem:$0x3FB9] =	sst s0  }
0x18: {  	s0 =	sld [smem:$0x3F9C];
	_ =	swait.ge [sflag:s4], $0x0  }
0x19: {  	s7 =	sld [smem:$0x3F9D]  }
0x1a: {  	s8 =	sadd.s32 $0xFFFFE003, lr  }
0x1b: {  	s9 =	sadd.s32 $0xFFFFFEF7, lr;
	s5 =	simm.s32 $0xFFFFFFFF;
	p2 =	slt.u32 s8, $0xFFFFF086  }
0x1c: {  	p1 =	slt.u32 s9, $0xF7A;
	s5 =	simm.s32 @!p2 $0x0  }
0x1d: {  	s5 =	simm.s32 @p1 $0x1;
	p0 =	seq.s32 s7, s2  }
0x1e: {  	s7 =	smul.u32 @!p0 $0xF7A, s2;
	p2 =	seq.s32 @!p0 s5, $0x0  }
0x1f: {  	s9 =	smul.u32 $0xF7A, s1;
	s8 =	simm.s32 @!p0 $0x1BF5;
	p2 =	por !p2, p0  }
0x20: {  	[sflag:s8] =	ssyncset.s32 @!p0 $0xFFFFF086;
	s6 =	sadd.s32 @!p0 s3, s7;
	s7 =	simm.s32 @!p0 $0x108  }
0x21: {  	s3 =	sadd.s32 s3, s9;
	s6 =	sadd.s32 @!p0 $0x88, s6;
	s7 =	simm.s32 @p2 $0x1082  }
0x22: {  	[simem:s7], [sflag:s8] =	dma.local @!p0 [hbm:s6], $0xF7A  }
0x23: {  	s9 =	sor.u32 $0xD0000000, s2;
	s6 =	simm.s32 $0x108;
	_ =	swait.ge @!p0 [sflag:s8], $0x0  }
0x24: {  	s3 =	sadd.s32 $0x88, s3;
	s6 =	simm.s32 @!p1 $0x1082;
	[sflag:s4] =	ssyncset.s32 $0xFFFFF086  }
0x25: {  	[simem:s6], [sflag:s4] =	dma.local [hbm:s3], $0xF7A  }
0x26: {  	[smem:$0x3F9D] =	sst s1;
	(tag) =	ssettag s2;
	_ =	strace s9  }
0x27: {  	s1 =	sld [smem:$0x3FAD]  }
0x28: {  	s2 =	sld [smem:$0x3FAE]  }
0x29: {  	s4 =	sld [smem:$0x3FB0]  }
0x2a: {  	p0 =	seq.s32 s5, $0x0;
	s5 =	sld [smem:$0x3FB1]  }
0x2b: {  	s6 =	sld [smem:$0x3FB2]  }
0x2c: {  	s7 =	sld [smem:$0x3FB3]  }
0x2d: {  	s3 =	simm.s32 $0x108;
	s8 =	sld [smem:$0x3FB4]  }
0x2e: {  	s3 =	simm.s32 @!p0 $0x1082;
	s9 =	sld [smem:$0x3FB5]  }
0x2f: {  	lr =	sadd.s32 s0, s3;
	s0 =	sld [smem:$0x3FAC]  }
0x30: {  	s3 =	sld [smem:$0x3FAF]  }
0x31: {  	[smem:$0x3FB8] =	sst s10  }
0x32: {  	s10 =	sld [smem:$0x3FB6];
	_ =	sdelay $0x3  }
0x33: {  	p0 =	seq.s32 s10, $0x1;
	s10 =	sld [smem:$0x3FB8];
	_ =	sdelay $0x3  }
0x34: {  	[smem:$0x3FB8] =	sst s10  }
0x35: {  	s10 =	sld [smem:$0x3FB7];
	_ =	sdelay $0x3  }
0x36: {  	p1 =	seq.s32 s10, $0x1;
	s10 =	sld [smem:$0x3FB8];
	_ =	sdelay $0x3  }
0x37: {  	[smem:$0x3FB8] =	sst s10  }
0x38: {  	s10 =	sld [smem:$0x3FB9]  }
0x39: {  	_ = 	snop;
	(pc) =	sbr.ind lr, $3  }
0x3a: {  	_ = 	snop  }
0x3b: {  	_ = 	snop  }
0x3c: {  	p2 =	seq.s32 s10, $0x1;
	s10 =	sld [smem:$0x3FB8]  }
0x3d: {  	_ =	shalt  }
0x3e: {  	_ =	shalt  }
0x3f: {  	_ =	shalt  }
0x40: {  	_ =	shalt  }
0x41: {  	_ =	shalt  }
0x42: {  	_ =	shalt  }
0x43: {  	_ =	shalt  }
0x44: {  	_ =	shalt  }
0x45: {  	_ =	shalt  }
0x46: {  	_ =	shalt  }
0x47: {  	_ =	shalt  }
0x48: {  	_ =	shalt  }
0x49: {  	_ =	shalt  }
0x4a: {  	_ =	shalt  }
0x4b: {  	_ =	shalt  }
0x4c: {  	_ =	shalt  }
0x4d: {  	_ =	shalt  }
0x4e: {  	_ =	shalt  }
0x4f: {  	_ =	shalt  }
0x50: {  	_ =	shalt  }
0x51: {  	_ =	shalt  }
0x52: {  	_ =	shalt  }
0x53: {  	_ =	shalt  }
0x54: {  	_ =	shalt  }
0x55: {  	_ =	shalt  }
0x56: {  	_ =	shalt  }
0x57: {  	_ =	shalt  }
0x58: {  	_ =	shalt  }
0x59: {  	_ =	shalt  }
0x5a: {  	_ =	shalt  }
0x5b: {  	_ =	shalt  }
0x5c: {  	_ =	shalt  }
0x5d: {  	_ =	shalt  }
0x5e: {  	_ =	shalt  }
0x5f: {  	_ =	shalt  }
0x60: {  	_ =	shalt  }
0x61: {  	_ =	shalt  }
0x62: {  	_ =	shalt  }
0x63: {  	_ =	shalt  }
0x64: {  	_ =	shalt  }
0x65: {  	_ =	shalt  }
0x66: {  	_ =	shalt  }
0x67: {  	_ =	shalt  }
0x68: {  	_ =	shalt  }
0x69: {  	_ =	shalt  }
0x6a: {  	_ =	shalt  }
0x6b: {  	_ =	shalt  }
0x6c: {  	_ =	shalt  }
0x6d: {  	_ =	shalt  }
0x6e: {  	_ =	shalt  }
0x6f: {  	_ =	shalt  }
0x70: {  	_ =	shalt  }
0x71: {  	_ =	shalt  }
0x72: {  	_ =	shalt  }
0x73: {  	_ =	shalt  }
0x74: {  	_ =	shalt  }
0x75: {  	_ =	shalt  }
0x76: {  	_ =	shalt  }
0x77: {  	_ =	shalt  }
0x78: {  	_ =	shalt  }
0x79: {  	_ =	shalt  }
0x7a: {  	_ =	shalt  }
0x7b: {  	_ =	shalt  }
0x7c: {  	_ =	shalt  }
0x7d: {  	_ =	shalt  }
0x7e: {  	_ =	shalt  }
0x7f: {  	_ =	shalt  }
0x80: {  	_ =	shalt  }
0x81: {  	_ =	shalt  }
0x82: {  	_ =	shalt  }
0x83: {  	_ =	shalt  }
0x84: {  	_ =	shalt  }
0x85: {  	_ =	shalt  }
0x86: {  	_ =	shalt  }
0x87: {  	_ =	shalt  }
.Lfunc_end0:
.L_simem_size_0:
called_computation_lowered:
.L_overlay_start_0:
0x88: {  	s2 =	sld [smem:$0x3FD9]  }
0x89: {  	s3 =	sld [smem:$0x3FFE];
	_ =	sdelay $0x1  }
0x8a: {  	s1 =	srdreg.scid  }
0x8b: {  	s0 =	sand.u32 $0x1, s1  }
0x8c: {  	s17 =	sshll.u32 s0, $0xA;
	s2 =	sadd.s32 s3, s2  }
0x8d: {  	s2 =	sadd.s32 s2, s17  }
0x8e: {  	[smem:$0x3FC4] =	sst s2  }
0x8f: {  	_ = 	snop  }
0x90: {  	s2 =	sld [smem:$0x3FC9]  }
0x91: {  	s18 =	sld [smem:$0x3FD0];
	(tm) =	ssettm $0x1  }
0x92: {  	s4 =	sld [smem:$0x3FFB];
	_ =	sdelay $0x3  }
0x93: {  	_ =	strace s4  }
0x94: {  	s4 =	sld [smem:$0x3FFC];
	_ =	sdelay $0x3  }
0x95: {  	_ =	strace s4  }
0x96: {  	s4 =	sld [smem:$0x3FFD];
	_ =	sdelay $0x3  }
0x97: {  	_ =	strace s4  }
0x98: {  	_ =	strace $0x8FFFFFFF  }
0x99: {  	s19 =	sld [smem:$0x3FDB];
	_ =	sdelay $0x1  }
0x9a: {  	s5 =	simm.s32 $_scs_section_size  }
0x9b: {  	s6 =	simm.s32 $_size__tile_overlayer_lowered;
	s7 =	simm.s32 $_tile_overlayer_lowered  }
0x9c: {  	s22 =	simm.s32 $0x1BFF;
	s21 =	sshll.u32 s7, $0x1;
	s4 =	sadd.s32 s5, s19  }
0x9d: {  	s8 =	simm.s32 $0x0;
	s20 =	sshll.u32 s6, $0x1;
	s6 =	sadd.s32 s21, s4  }
0x9e: {  	[timem:s8], [sflag:s22] =	dma.local [hbm:s6], s20  }
0x9f: {  	_ =	swait.ge [sflag:s22], s20  }
0xa0: {  	s5 =	ssub.s32 $0x0, s20;
	[sflag:s22] =	ssyncset.done $0x0  }
0xa1: {  	[sflag:s22] =	ssyncadd.s32 s5;
	_ =	sdelay $0x1  }
0xa2: {  	s23 =	simm.s32 $0x1B8B  }
0xa3: {  	_ =	swait.ge [sflag:s23], $0x1  }
0xa4: {  	[sflag:s23] =	ssyncset.done $0x0  }
0xa5: {  	s25 =	simm.s32 $0x1B8E;
	s24 =	sld [smem:$0x3FFE];
	[sflag:s23] =	ssyncadd.s32 $0xFFFFFFFF  }
0xa6: {  	s26 =	simm.s32 $execute0_lowered;
	[smem:$0x3FD2] =	sst s25  }
0xa7: {  	s6 =	sshll.u32 s26, $0x1;
	_ =	strace $0x80000046;
	[dreg:$0x1] =	wrdreg $0xFFFFFFFF  }
0xa8: {  	s28 =	simm.s32 $_size_execute0_lowered;
	s4 =	sadd.s32 s4, s6;
	[dreg:$0x0] =	wrdreg $0x0  }
0xa9: {  	s6 =	sshll.u32 s28, $0x1;
	[dreg:$0x2] =	wrdreg s4  }
0xaa: {  	[dreg:$0x3] =	wrdreg s6  }
0xab: {  	[dreg:$0x4] =	wrdreg $0xC0  }
0xac: {  	_ =	task [dreg:s8], $0x5FFFF  }
0xad: {  	[dreg:$0x1] =	wrdreg $0xFFFFFFFF  }
0xae: {  	[dreg:$0x0] =	wrdreg $0x60  }
0xaf: {  	[dreg:$0x2] =	wrdreg s24  }
0xb0: {  	[dreg:$0x3] =	wrdreg s18  }
0xb1: {  	[dreg:$0x4] =	wrdreg s2  }
0xb2: {  	[dreg:$0x5] =	wrdreg $0xA4000  }
0xb3: {  	[dreg:$0x6] =	wrdreg $0x9  }
0xb4: {  	_ =	task.clear_ibuf [dreg:s8], $0x7FFFF;
	_ =	strace $0x90000046  }
0xb5: {  	s29 =	simm.s32 $0x9;
	_ =	strace $0x80000048  }
0xb6: {  	_ =	swait.ge [sflag:s29], $0x1  }
0xb7: {  	[sflag:s29] =	ssyncadd.s32 $0xFFFFFFFF  }
0xb8: {  	_ =	strace $0x90000048  }
0xb9: {  	_ =	sfence  }
0xba: {  	s30 =	sld [smem:$0x0];
	_ =	sdelay $0x2  }
0xbb: {  	s31 =	sshll.u32 s1, $0xD;
	s1 =	sshrl.u32 s1, $0x2  }
0xbc: {  	s3 =	sand.u32 $0x4000, s31;
	s1 =	sadd.s32 s1, s30  }
0xbd: {  	s0 =	sor.u32 s3, s0;
	s1 =	sshll.u32 s1, $0x11  }
0xbe: {  	s0 =	sor.u32 s1, s0  }
0xbf: {  	s0 =	sadd.s32 $0x8F2B, s0  }
0xc0: {  	[sflag:s0] =	ssyncadd.remote.s32 $0x1  }
0xc1: {  	_ =	sfence.sel $0xFFFF  }
0xc2: {  	[dreg:$0x0] =	wrdreg $0xFFFFFFFF;
	(pc) =	sbr.abs _section_cstart, $3  }
0xc3: {  	[dreg:$0x1] =	wrdreg $0xFFFFFFFF  }
0xc4: {  	_ =	task.clear_ibuf [dreg:s8], $0x2FFFF;
	_ =	strace $0x9FFFFFFF  }
0xc5: {  	(tm) =	ssettm $0x7FFFFFFF  }
tec
execute0_lowered:
.L_overlay_start_1:
0x0: {  	(tag) =	ssettag $0x1  }
0x1: {  	s0 =	rddreg [dreg:$0x0]  }
0x2: {  	s1 =	rddreg [dreg:$0x1]  }
0x3: {  	s2 =	rddreg [dreg:$0x2]  }
0x4: {  	s4 =	srdreg.scid;
	s11 =	stileid.u32  }
0x5: {  	s3 =	rddreg [dreg:$0x3];
	s6 =	smul.u32 $0x14000, s11  }
0x6: {  	s28 =	simm.s32 $0x9;
	s29 =	simm.s32 $0x50;
	s8 =	smul.u32 $0x50000, s11  }
0x7: {  	s7 =	sand.u32 $0x1, s4;
	s4 =	simm.s32 $0x0;
	s17 =	smul.u32 $0x2710, s11  }
0x8: {  	s5 =	smul.u32 $0x140000, s7;
	[smem:$0x7FF] =	sst s4;
	s26 =	ssub.s32 $0x2, s7  }
0x9: {  	s9 =	sshll.u32 s7, $0x4;
	s7 =	smul.u32 $0x27100, s7;
	_ =	strace $0x80000047  }
0xa: {  	s10 =	sshrl.u32 s26, $0x1;
	s9 =	sor.u32 s11, s9;
	s6 =	sadd.s32 s6, s5  }
0xb: {  	s8 =	sshrl.u32 s8, $0x2;
	s5 =	sadd.s32 $0xE00, s0;
	s6 =	sshrl.u32 s6, $0x3  }
0xc: {  	s10 =	ssub.s32 s26, s10;
	s0 =	sadd.s32 s6, s0;
	s6 =	sadd.s32 s8, s3  }
0xd: {  	s9 =	smul.u32 $0x2710, s9;
	s7 =	sadd.s32 s17, s7;
	s8 =	sadd.s32 $0x2800, s6  }
0xe: {  	s22 =	sadd.s32 $0x50, s7;
	s30 =	sadd.s32 $0x5000, s6;
	[dreg:$0x5] =	wrdreg s8  }
0xf: {  	s24 =	sshrl.u32 s7, $0x3;
	s12 =	sadd.s32 $0x7800, s6;
	[dreg:$0x6] =	wrdreg s30  }
0x10: {  	s25 =	sadd.s32 $0xF0, s7;
	s13 =	sadd.s32 $0xA000, s6;
	[dreg:$0x7] =	wrdreg s12  }
0x11: {  	s16 =	sshrl.u32 s9, $0x3;
	s14 =	sadd.s32 $0xC800, s6;
	[dreg:$0x8] =	wrdreg s13  }
0x12: {  	s9 =	sshrl.u32 s22, $0x3;
	s15 =	sadd.s32 $0xF000, s6;
	[dreg:$0x9] =	wrdreg s14  }
0x13: {  	s26 =	sshrl.u32 s25, $0x3;
	s18 =	sadd.s32 $0x11800, s6;
	[dreg:$0xa] =	wrdreg s15  }
0x14: {  	s25 =	sadd.s32 $0xA0, s7;
	s0 =	sadd.s32 $0xAC00, s0;
	[dreg:$0xb] =	wrdreg s18  }
0x15: {  	s19 =	sadd.s32 s1, s16;
	s12 =	sadd.s32 s5, s16;
	[dreg:$0x12] =	wrdreg s0  }
0x16: {  	s31 =	sadd.s32 s9, s1;
	s20 =	sadd.s32 $0x4C4, s19;
	[dreg:$0xc] =	wrdreg s12  }
0x17: {  	s21 =	sadd.s32 $0x4CE, s19;
	s8 =	sadd.s32 $0x4D8, s16;
	[dreg:$0xe] =	wrdreg s20  }
0x18: {  	s30 =	smax.u32 s10, $0x1;
	s13 =	simm.s32 $0x8;
	[dreg:$0xf] =	wrdreg s21  }
0x19: {  	s15 =	simm.s32 $0x0;
	s12 =	sadd.s32 $0xA, s12;
	[dreg:$0x13] =	wrdreg s30  }
0x1a: {  	s23 =	sadd.s32 s1, s8;
	s20 =	sadd.s32 s24, s1;
	[dreg:$0xd] =	wrdreg s12  }
0x1b: {  	s8 =	sadd.s32 s5, s8;
	s24 =	sadd.s32 s26, s5;
	[dreg:$0x10] =	wrdreg s23  }
0x1c: {  	v0 =	vimm.f32 $0.0e+00;
	s26 =	simm.s32 $0x400;
	[dreg:$0x11] =	wrdreg s8;
	s8 =	simm.s32 $0x5  }
.LBB2_1:
0x1d: {  	s0 =	simm.s32 $0x70;
	s1 =	simm.s32 $0x3C0  }
.LBB2_2:
0x1e: {  	p0 =	sne.s32 s1, $0x9FC0;
	[tilespmem:s0+$0x400] =	vst v0  }
0x1f: {  	[tilespmem:s0+$0x390] =	vst v0  }
0x20: {  	[tilespmem:s0+$0x3A0] =	vst v0  }
.Ltmp0:
0x21: {  	[tilespmem:s0+$0x3B0] =	vst v0;
	(pc) =	sbr.rel @p0 .LBB2_2-.Ltmp0, $4  }
0x22: {  	[tilespmem:s0+$0x3C0] =	vst v0  }
0x23: {  	[tilespmem:s0+$0x3D0] =	vst v0  }
0x24: {  	[tilespmem:s0+$0x3E0] =	vst v0  }
0x25: {  	[tilespmem:s0+$0x3F0] =	vst v0;
	s0 =	sshra.s32 s1, $0x2;
	s1 =	sadd.s32 $0x200, s1  }
0x26: {  	[tilespmem:s0+$0x400] =	vst v0  }
0x27: {  	[tilespmem:s0+$0x390] =	vst v0  }
0x28: {  	[tilespmem:s0+$0x3A0] =	vst v0  }
0x29: {  	[tilespmem:s0+$0x3B0] =	vst v0  }
0x2a: {  	[tilespmem:s0+$0x3C0] =	vst v0  }
0x2b: {  	[tilespmem:s0+$0x3D0] =	vst v0  }
0x2c: {  	[tilespmem:s0+$0x3E0] =	vst v0  }
0x2d: {  	[tilespmem:s0+$0x3F0] =	vst v0  }
0x2e: {  	[spmem:s6] =	stream.linear.scatter [tilespmem:s26], [sflag:$0x9], $0x2800, $0x38;
	[tilespmem:$0x1E400] =	vst v63  }
0x2f: {  	_ =	swait.ge [sflag:s28], $0x2800  }
0x30: {  	[sflag:s28] =	ssyncset.done $0x0  }
0x31: {  	s10 =	rddreg [dreg:$0x5];
	[sflag:s28] =	ssyncadd.s32 $0xFFFFD800  }
0x32: {  	[spmem:s10] =	stream.linear.scatter [tilespmem:s26], [sflag:$0x9], $0x2800, $0x38;
	[tilespmem:$0x1E400] =	vst v63  }
0x33: {  	_ =	swait.ge [sflag:s28], $0x2800  }
0x34: {  	[sflag:s28] =	ssyncset.done $0x0  }
0x35: {  	s11 =	rddreg [dreg:$0x6];
	[sflag:s28] =	ssyncadd.s32 $0xFFFFD800  }
0x36: {  	[spmem:s11] =	stream.linear.scatter [tilespmem:s26], [sflag:$0x9], $0x2800, $0x38;
	[tilespmem:$0x1E400] =	vst v63  }
0x37: {  	_ =	swait.ge [sflag:s28], $0x2800  }
0x38: {  	[sflag:s28] =	ssyncset.done $0x0  }
0x39: {  	s12 =	rddreg [dreg:$0x7];
	[sflag:s28] =	ssyncadd.s32 $0xFFFFD800  }
0x3a: {  	[spmem:s12] =	stream.linear.scatter [tilespmem:s26], [sflag:$0x9], $0x2800, $0x38;
	[tilespmem:$0x1E400] =	vst v63  }
0x3b: {  	_ =	swait.ge [sflag:s28], $0x2800  }
0x3c: {  	[sflag:s28] =	ssyncset.done $0x0  }
0x3d: {  	s14 =	rddreg [dreg:$0x8];
	[sflag:s28] =	ssyncadd.s32 $0xFFFFD800  }
0x3e: {  	[spmem:s14] =	stream.linear.scatter [tilespmem:s26], [sflag:$0x9], $0x2800, $0x38;
	[tilespmem:$0x1E400] =	vst v63  }
0x3f: {  	_ =	swait.ge [sflag:s28], $0x2800  }
0x40: {  	[sflag:s28] =	ssyncset.done $0x0  }
0x41: {  	s16 =	rddreg [dreg:$0x9];
	[sflag:s28] =	ssyncadd.s32 $0xFFFFD800  }
0x42: {  	[spmem:s16] =	stream.linear.scatter [tilespmem:s26], [sflag:$0x9], $0x2800, $0x38;
	[tilespmem:$0x1E400] =	vst v63  }
0x43: {  	_ =	swait.ge [sflag:s28], $0x2800  }
0x44: {  	[sflag:s28] =	ssyncset.done $0x0  }
0x45: {  	s17 =	rddreg [dreg:$0xa];
	[sflag:s28] =	ssyncadd.s32 $0xFFFFD800  }
0x46: {  	[spmem:s17] =	stream.linear.scatter [tilespmem:s26], [sflag:$0x9], $0x2800, $0x38;
	[tilespmem:$0x1E400] =	vst v63  }
0x47: {  	_ =	swait.ge [sflag:s28], $0x2800  }
0x48: {  	[sflag:s28] =	ssyncset.done $0x0  }
0x49: {  	s18 =	rddreg [dreg:$0xb];
	[sflag:s28] =	ssyncadd.s32 $0xFFFFD800  }
0x4a: {  	[spmem:s18] =	stream.linear.scatter [tilespmem:s26], [sflag:$0x9], $0x2800, $0x38;
	[tilespmem:$0x1E400] =	vst v63  }
0x4b: {  	_ =	swait.ge [sflag:s28], $0x2800  }
0x4c: {  	[sflag:s28] =	ssyncset.done $0x0  }
0x4d: {  	[sflag:s28] =	ssyncadd.s32 $0xFFFFD800  }
0x4e: {  	[bflag:$0x0] =	sbarrier.arrive $0xFFFF  }
0x4f: {  	s19 =	rddreg [dreg:$0xc]  }
0x50: {  	[tilespmem:s4], [sflag:$0x9] =	stream.linear.gather [hbm4b:s19+s4], $0x50, $0x38;
	[tilespmem:$0x1E400] =	vst v63  }
0x51: {  	_ =	swait.ge [sflag:s28], $0x50  }
0x52: {  	s23 =	simm.s32 $0x1;
	[sflag:s28] =	ssyncset.done $0x0  }
0x53: {  	s0 =	sand.u32 $0x1, s23;
	[sflag:s28] =	ssyncadd.s32 $0xFFFFFFB0  }
0x54: {  	[tilespmem:s26], [sflag:$0x1] =	stream.indirect.gather [hbm4b:s2+s29], $0x80, s4, s29, $0xb8;
	[tilespmem:$0x1E400] =	vst v63  }
0x55: {  	s1 =	simm.s32 $0x80;
	p1 =	seq.s32 s0, $0x0;
	s21 =	rddreg [dreg:$0xd]  }
0x56: {  	[tilespmem:s1], [sflag:$0x9] =	stream.linear.gather [hbm4b:s21+s4], $0x50, $0x38;
	[tilespmem:$0x1E400] =	vst v63  }
0x57: {  	p0 =	por @p1 $0x1, $0x1;
	_ =	swait.ge [sflag:s28], $0x50  }
0x58: {  	p2 =	por p0, !p1;
	[sflag:s28] =	ssyncset.done $0x0  }
0x59: {  	s22 =	simm.s32 $0x2C00;
	s0 =	simm.s32 @!p2 $0x5;
	[sflag:s28] =	ssyncadd.s32 $0xFFFFFFB0  }
0x5a: {  	[tilespmem:s22], [sflag:$0x2] =	stream.indirect.gather [hbm4b:s2+s29], $0x80, s1, s29, $0xb8;
	[tilespmem:$0x1E400] =	vst v63  }
0x5b: {  	_ =	swait.ge @!p2 [sflag:s0], $0x2800  }
0x5c: {  	[sflag:s0] =	ssyncset.done @!p2 $0x0  }
0x5d: {  	s1 =	simm.s32 @!p2 $0x6;
	[sflag:s0] =	ssyncadd.s32 @!p2 $0xFFFFD800  }
0x5e: {  	p0 =	por p1, p1;
	_ =	swait.ge @!p2 [sflag:s1], $0x2800  }
0x5f: {  	s7 =	simm.s32 @p0 $0x9;
	s0 =	sshrl.u32 @p1 s25, $0x3;
	[sflag:s1] =	ssyncset.done @!p2 $0x0  }
0x60: {  	s10 =	simm.s32 @p0 $0x0;
	s0 =	sadd.s32 @p0 s5, s0;
	[sflag:s1] =	ssyncadd.s32 @!p2 $0xFFFFD800  }
0x61: {  	[tilespmem:s10], [sflag:$0x9] =	stream.linear.gather @p0 [hbm4b:s0+s10], $0x50, $0x38;
	[tilespmem:$0x1E400] =	vst v63  }
0x62: {  	_ =	swait.ge @p0 [sflag:s7], $0x50  }
0x63: {  	[sflag:s7] =	ssyncset.done @p0 $0x0  }
0x64: {  	s1 =	simm.s32 @p0 $0x400;
	s0 =	simm.s32 @p0 $0x50;
	[sflag:s7] =	ssyncadd.s32 @p0 $0xFFFFFFB0  }
0x65: {  	[tilespmem:s1], [sflag:$0x1] =	stream.indirect.gather @p0 [hbm4b:s2+s0], $0x80, s10, s0, $0xb8;
	[tilespmem:$0x1E400] =	vst v63  }
0x66: {  	s1 =	simm.s32 @p0 $0x80  }
0x67: {  	[tilespmem:s1], [sflag:$0x9] =	stream.linear.gather @p0 [hbm4b:s24+s10], $0x50, $0x38;
	[tilespmem:$0x1E400] =	vst v63  }
0x68: {  	_ =	swait.ge @p0 [sflag:s7], $0x50  }
0x69: {  	[sflag:s7] =	ssyncset.done @p0 $0x0  }
0x6a: {  	s14 =	simm.s32 @p0 $0x2C00;
	s16 =	simm.s32 @p0 $0x3;
	[sflag:s7] =	ssyncadd.s32 @p0 $0xFFFFFFB0  }
0x6b: {  	[tilespmem:s14], [sflag:$0x2] =	stream.indirect.gather @p0 [hbm4b:s2+s0], $0x80, s1, s0, $0xb8;
	[tilespmem:$0x1E400] =	vst v63  }
0x6c: {  	_ =	swait.ge @p0 [sflag:s16], $0x2800  }
0x6d: {  	[sflag:s16] =	ssyncset.done @p0 $0x0  }
0x6e: {  	s1 =	simm.s32 @p0 $0x300;
	[sflag:s16] =	ssyncadd.s32 @p0 $0xFFFFD800  }
0x6f: {  	[tilespmem:s1], [sflag:$0x9] =	stream.linear.gather @p0 [hbm4b:s20+s10], $0x50, $0x38;
	[tilespmem:$0x1E400] =	vst v63  }
0x70: {  	_ =	swait.ge @p0 [sflag:s7], $0x50  }
0x71: {  	[sflag:s7] =	ssyncset.done @p0 $0x0  }
0x72: {  	s14 =	simm.s32 @p0 $0x5400;
	s16 =	simm.s32 @p0 $0x4;
	[sflag:s7] =	ssyncadd.s32 @p0 $0xFFFFFFB0  }
0x73: {  	[spmem:s3] =	stream.indirect.scatter.add.f32 @p0 [tilespmem:s14], [sflag:$0x7], $0x80, s1, s0, $0xb8;
	[tilespmem:$0x1E400] =	vst v63  }
0x74: {  	_ =	swait.ge @p0 [sflag:s16], $0x2800  }
0x75: {  	[sflag:s16] =	ssyncset.done @p0 $0x0  }
0x76: {  	s1 =	simm.s32 @p0 $0x380;
	[sflag:s16] =	ssyncadd.s32 @p0 $0xFFFFD800  }
0x77: {  	[tilespmem:s1], [sflag:$0x9] =	stream.linear.gather @p0 [hbm4b:s31+s10], $0x50, $0x38;
	[tilespmem:$0x1E400] =	vst v63  }
0x78: {  	p2 =	por @!p0 $0x1, $0x1;
	_ =	swait.ge @p0 [sflag:s7], $0x50  }
0x79: {  	p2 =	por p2, p0;
	[sflag:s7] =	ssyncset.done @p0 $0x0  }
0x7a: {  	s10 =	simm.s32 @p0 $0x7C00;
	[sflag:s7] =	ssyncadd.s32 @p0 $0xFFFFFFB0;
	s7 =	simm.s32 @!p2 $0x7  }
0x7b: {  	[spmem:s3] =	stream.indirect.scatter.add.f32 @p0 [tilespmem:s10], [sflag:$0x8], $0x80, s1, s0, $0xb8;
	[tilespmem:$0x1E400] =	vst v63  }
0x7c: {  	_ =	swait.ge @!p2 [sflag:s7], $0x2800  }
0x7d: {  	[sflag:s7] =	ssyncset.done @!p2 $0x0  }
0x7e: {  	s0 =	simm.s32 @!p2 $0x8;
	[sflag:s7] =	ssyncadd.s32 @!p2 $0xFFFFD800  }
0x7f: {  	s14 =	simm.s32 @!p0 $0x9;
	_ =	swait.ge @!p2 [sflag:s0], $0x2800  }
0x80: {  	s16 =	simm.s32 @!p0 $0x100;
	s1 =	sshrl.u32 @!p1 s25, $0x3;
	[sflag:s0] =	ssyncset.done @!p2 $0x0  }
0x81: {  	s10 =	simm.s32 @!p0 $0x0;
	[sflag:s0] =	ssyncadd.s32 @!p2 $0xFFFFD800;
	s0 =	sadd.s32 @!p0 s5, s1  }
0x82: {  	[tilespmem:s16], [sflag:$0x9] =	stream.linear.gather @!p0 [hbm4b:s0+s10], $0x50, $0x38;
	[tilespmem:$0x1E400] =	vst v63  }
0x83: {  	_ =	swait.ge @!p0 [sflag:s14], $0x50  }
0x84: {  	[sflag:s14] =	ssyncset.done @!p0 $0x0  }
0x85: {  	s7 =	simm.s32 @!p0 $0x50;
	s0 =	simm.s32 @!p0 $0x5400;
	[sflag:s14] =	ssyncadd.s32 @!p0 $0xFFFFFFB0  }
0x86: {  	[tilespmem:s0], [sflag:$0x3] =	stream.indirect.gather @!p0 [hbm4b:s2+s7], $0x80, s16, s7, $0xb8;
	[tilespmem:$0x1E400] =	vst v63  }
0x87: {  	s0 =	simm.s32 @!p0 $0x180  }
0x88: {  	[tilespmem:s0], [sflag:$0x9] =	stream.linear.gather @!p0 [hbm4b:s24+s10], $0x50, $0x38;
	[tilespmem:$0x1E400] =	vst v63  }
0x89: {  	_ =	swait.ge @!p0 [sflag:s14], $0x50  }
0x8a: {  	[sflag:s14] =	ssyncset.done @!p0 $0x0  }
0x8b: {  	s1 =	simm.s32 @!p0 $0x7C00;
	s16 =	simm.s32 @!p0 $0x1;
	[sflag:s14] =	ssyncadd.s32 @!p0 $0xFFFFFFB0  }
0x8c: {  	[tilespmem:s1], [sflag:$0x4] =	stream.indirect.gather @!p0 [hbm4b:s2+s7], $0x80, s0, s7, $0xb8;
	[tilespmem:$0x1E400] =	vst v63  }
0x8d: {  	s30 =	simm.s32 $0x3;
	_ =	swait.ge @!p0 [sflag:s16], $0x2800  }
0x8e: {  	s23 =	simm.s32 @!p0 $0x400;
	s17 =	sadd.s32 $0x14, s20;
	[sflag:s16] =	ssyncset.done @!p0 $0x0  }
0x8f: {  	s19 =	simm.s32 @!p0 $0x200;
	s21 =	simm.s32 $0x2;
	[sflag:s16] =	ssyncadd.s32 @!p0 $0xFFFFD800  }
0x90: {  	[tilespmem:s19], [sflag:$0x9] =	stream.linear.gather @!p0 [hbm4b:s20+s10], $0x50, $0x38;
	[tilespmem:$0x1E400] =	vst v63  }
0x91: {  	s18 =	sadd.s32 $0x14, s24;
	s22 =	sand.u32 $0x1, s21;
	_ =	swait.ge @!p0 [sflag:s14], $0x50  }
0x92: {  	p2 =	seq.s32 s22, $0x0;
	s22 =	sadd.s32 $0xA0, s25;
	[sflag:s14] =	ssyncset.done @!p0 $0x0  }
0x93: {  	p3 =	por @p2 $0x0, $0x0;
	s0 =	simm.s32 @!p0 $0x2;
	[sflag:s14] =	ssyncadd.s32 @!p0 $0xFFFFFFB0  }
0x94: {  	[spmem:s3] =	stream.indirect.scatter.add.f32 @!p0 [tilespmem:s23], [sflag:$0x5], $0x80, s19, s7, $0xb8;
	[tilespmem:$0x1E400] =	vst v63  }
0x95: {  	s1 =	simm.s32 @!p0 $0x280;
	s16 =	sadd.s32 $0x14, s31;
	_ =	swait.ge @!p0 [sflag:s0], $0x2800  }
0x96: {  	s23 =	sshrl.u32 @!p2 s22, $0x3;
	s19 =	smov.u32 s31;
	[sflag:s0] =	ssyncset.done @!p0 $0x0  }
.LBB2_4:
0x97: {  	p3 =	por p3, !p2  }
0x98: {  	[sflag:s0] =	ssyncadd.s32 @!p0 $0xFFFFD800;
	s9 =	simm.s32 @!p0 $0x2C00;
	s0 =	smov.u32 s30  }
0x99: {  	[tilespmem:s1], [sflag:$0x9] =	stream.linear.gather @!p0 [hbm4b:s19+s10], $0x50, $0x38;
	[tilespmem:$0x1E400] =	vst v63  }
0x9a: {  	s30 =	sadd.s32 $0x1, s30;
	s10 =	simm.s32 @!p3 $0x5;
	_ =	swait.ge @!p0 [sflag:s14], $0x50  }
0x9b: {  	p1 =	sne.s32 s30, $0x3E;
	s19 =	smov.u32 s16;
	[sflag:s14] =	ssyncset.done @!p0 $0x0  }
0x9c: {  	[sflag:s14] =	ssyncadd.s32 @!p0 $0xFFFFFFB0  }
0x9d: {  	[spmem:s3] =	stream.indirect.scatter.add.f32 @!p0 [tilespmem:s9], [sflag:$0x6], $0x80, s1, s7, $0xb8;
	[tilespmem:$0x1E400] =	vst v63  }
0x9e: {  	s1 =	sshrl.u32 @p2 s22, $0x3;
	p0 =	por p2, p2;
	_ =	swait.ge @!p3 [sflag:s10], $0x2800  }
0x9f: {  	s9 =	simm.s32 @!p3 $0x6;
	s7 =	simm.s32 @p0 $0x9;
	[sflag:s10] =	ssyncset.done @!p3 $0x0  }
0xa0: {  	s1 =	sadd.s32 @p0 s5, s1;
	s14 =	simm.s32 @p0 $0x0;
	[sflag:s10] =	ssyncadd.s32 @!p3 $0xFFFFD800  }
0xa1: {  	_ =	swait.ge @!p3 [sflag:s9], $0x2800  }
0xa2: {  	[sflag:s9] =	ssyncset.done @!p3 $0x0  }
0xa3: {  	[sflag:s9] =	ssyncadd.s32 @!p3 $0xFFFFD800  }
0xa4: {  	s10 =	simm.s32 @p0 $0x50;
	s9 =	simm.s32 @p0 $0x400  }
0xa5: {  	[tilespmem:s14], [sflag:$0x9] =	stream.linear.gather @p0 [hbm4b:s1+s14], $0x50, $0x38;
	[tilespmem:$0x1E400] =	vst v63  }
0xa6: {  	_ =	swait.ge @p0 [sflag:s7], $0x50  }
0xa7: {  	[sflag:s7] =	ssyncset.done @p0 $0x0  }
0xa8: {  	[sflag:s7] =	ssyncadd.s32 @p0 $0xFFFFFFB0  }
0xa9: {  	[tilespmem:s9], [sflag:$0x1] =	stream.indirect.gather @p0 [hbm4b:s2+s10], $0x80, s14, s10, $0xb8;
	[tilespmem:$0x1E400] =	vst v63  }
0xaa: {  	s11 =	simm.s32 @p0 $0x3;
	s1 =	simm.s32 @p0 $0x80;
	s9 =	simm.s32 @p0 $0x2C00  }
0xab: {  	[tilespmem:s1], [sflag:$0x9] =	stream.linear.gather @p0 [hbm4b:s18+s14], $0x50, $0x38;
	[tilespmem:$0x1E400] =	vst v63  }
0xac: {  	_ =	swait.ge @p0 [sflag:s7], $0x50  }
0xad: {  	[sflag:s7] =	ssyncset.done @p0 $0x0  }
0xae: {  	s12 =	simm.s32 @p0 $0x300;
	[sflag:s7] =	ssyncadd.s32 @p0 $0xFFFFFFB0  }
0xaf: {  	[tilespmem:s9], [sflag:$0x2] =	stream.indirect.gather @p0 [hbm4b:s2+s10], $0x80, s1, s10, $0xb8;
	[tilespmem:$0x1E400] =	vst v63  }
0xb0: {  	_ =	swait.ge @p0 [sflag:s11], $0x2800  }
0xb1: {  	[sflag:s11] =	ssyncset.done @p0 $0x0  }
0xb2: {  	s1 =	simm.s32 @p0 $0x5400;
	s9 =	simm.s32 @p0 $0x4;
	[sflag:s11] =	ssyncadd.s32 @p0 $0xFFFFD800  }
0xb3: {  	[tilespmem:s12], [sflag:$0x9] =	stream.linear.gather @p0 [hbm4b:s17+s14], $0x50, $0x38;
	[tilespmem:$0x1E400] =	vst v63  }
0xb4: {  	_ =	swait.ge @p0 [sflag:s7], $0x50  }
0xb5: {  	[sflag:s7] =	ssyncset.done @p0 $0x0  }
0xb6: {  	s11 =	simm.s32 @p0 $0x380;
	[sflag:s7] =	ssyncadd.s32 @p0 $0xFFFFFFB0  }
0xb7: {  	[spmem:s3] =	stream.indirect.scatter.add.f32 @p0 [tilespmem:s1], [sflag:$0x7], $0x80, s12, s10, $0xb8;
	[tilespmem:$0x1E400] =	vst v63  }
0xb8: {  	_ =	swait.ge @p0 [sflag:s9], $0x2800  }
0xb9: {  	p2 =	slt.u32 @!p0 s21, $0x3;
	s21 =	smov.u32 s0;
	[sflag:s9] =	ssyncset.done @p0 $0x0  }
0xba: {  	s0 =	simm.s32 @p0 $0x7C00;
	p2 =	por p2, p0;
	[sflag:s9] =	ssyncadd.s32 @p0 $0xFFFFD800  }
0xbb: {  	[tilespmem:s11], [sflag:$0x9] =	stream.linear.gather @p0 [hbm4b:s16+s14], $0x50, $0x38;
	[tilespmem:$0x1E400] =	vst v63  }
0xbc: {  	_ =	swait.ge @p0 [sflag:s7], $0x50  }
0xbd: {  	[sflag:s7] =	ssyncset.done @p0 $0x0  }
0xbe: {  	s1 =	simm.s32 @!p2 $0x7;
	[sflag:s7] =	ssyncadd.s32 @p0 $0xFFFFFFB0  }
0xbf: {  	[spmem:s3] =	stream.indirect.scatter.add.f32 @p0 [tilespmem:s0], [sflag:$0x8], $0x80, s11, s10, $0xb8;
	[tilespmem:$0x1E400] =	vst v63  }
0xc0: {  	_ =	swait.ge @!p2 [sflag:s1], $0x2800  }
0xc1: {  	[sflag:s1] =	ssyncset.done @!p2 $0x0  }
0xc2: {  	s0 =	simm.s32 @!p2 $0x8;
	[sflag:s1] =	ssyncadd.s32 @!p2 $0xFFFFD800  }
0xc3: {  	_ =	swait.ge @!p2 [sflag:s0], $0x2800  }
0xc4: {  	s14 =	simm.s32 @!p0 $0x9;
	s1 =	simm.s32 @!p0 $0x100;
	[sflag:s0] =	ssyncset.done @!p2 $0x0  }
0xc5: {  	s10 =	simm.s32 @!p0 $0x0;
	[sflag:s0] =	ssyncadd.s32 @!p2 $0xFFFFD800;
	s0 =	sadd.s32 @!p0 s5, s23  }
0xc6: {  	[tilespmem:s1], [sflag:$0x9] =	stream.linear.gather @!p0 [hbm4b:s0+s10], $0x50, $0x38;
	[tilespmem:$0x1E400] =	vst v63  }
0xc7: {  	_ =	swait.ge @!p0 [sflag:s14], $0x50  }
0xc8: {  	[sflag:s14] =	ssyncset.done @!p0 $0x0  }
0xc9: {  	s7 =	simm.s32 @!p0 $0x50;
	s0 =	simm.s32 @!p0 $0x5400;
	[sflag:s14] =	ssyncadd.s32 @!p0 $0xFFFFFFB0  }
0xca: {  	[tilespmem:s0], [sflag:$0x3] =	stream.indirect.gather @!p0 [hbm4b:s2+s7], $0x80, s1, s7, $0xb8;
	[tilespmem:$0x1E400] =	vst v63  }
0xcb: {  	s0 =	simm.s32 @!p0 $0x180  }
0xcc: {  	[tilespmem:s0], [sflag:$0x9] =	stream.linear.gather @!p0 [hbm4b:s18+s10], $0x50, $0x38;
	[tilespmem:$0x1E400] =	vst v63  }
0xcd: {  	_ =	swait.ge @!p0 [sflag:s14], $0x50  }
0xce: {  	[sflag:s14] =	ssyncset.done @!p0 $0x0  }
0xcf: {  	s9 =	simm.s32 @!p0 $0x1;
	s1 =	simm.s32 @!p0 $0x7C00;
	[sflag:s14] =	ssyncadd.s32 @!p0 $0xFFFFFFB0  }
0xd0: {  	[tilespmem:s1], [sflag:$0x4] =	stream.indirect.gather @!p0 [hbm4b:s2+s7], $0x80, s0, s7, $0xb8;
	[tilespmem:$0x1E400] =	vst v63  }
0xd1: {  	_ =	swait.ge @!p0 [sflag:s9], $0x2800  }
0xd2: {  	s16 =	sadd.s32 $0x14, s16;
	[sflag:s9] =	ssyncset.done @!p0 $0x0  }
0xd3: {  	s18 =	sadd.s32 $0x14, s18;
	[sflag:s9] =	ssyncadd.s32 @!p0 $0xFFFFD800;
	s9 =	simm.s32 @!p0 $0x200  }
0xd4: {  	[tilespmem:s9], [sflag:$0x9] =	stream.linear.gather @!p0 [hbm4b:s17+s10], $0x50, $0x38;
	[tilespmem:$0x1E400] =	vst v63  }
0xd5: {  	s0 =	simm.s32 @!p0 $0x2;
	s17 =	sadd.s32 $0x14, s17;
	_ =	swait.ge @!p0 [sflag:s14], $0x50  }
.Ltmp1:
0xd6: {  	s1 =	simm.s32 @!p0 $0x280;
	[sflag:s14] =	ssyncset.done @!p0 $0x0;
	(pc) =	sbr.rel @p1 .LBB2_4-.Ltmp1, $4  }
0xd7: {  	s12 =	simm.s32 @!p0 $0x400;
	s11 =	sand.u32 $0x1, s21;
	[sflag:s14] =	ssyncadd.s32 @!p0 $0xFFFFFFB0  }
0xd8: {  	[spmem:s3] =	stream.indirect.scatter.add.f32 @!p0 [tilespmem:s12], [sflag:$0x5], $0x80, s9, s7, $0xb8;
	[tilespmem:$0x1E400] =	vst v63  }
0xd9: {  	s22 =	sadd.s32 $0xA0, s22;
	p2 =	seq.s32 s11, $0x0;
	_ =	swait.ge @!p0 [sflag:s0], $0x2800  }
0xda: {  	p3 =	slt.u32 @p2 s21, $0x2;
	s23 =	sshrl.u32 @!p2 s22, $0x3;
	[sflag:s0] =	ssyncset.done @!p0 $0x0  }
0xdb: {  	[sflag:s0] =	ssyncadd.s32 @!p0 $0xFFFFD800  }
0xdc: {  	[tilespmem:s1], [sflag:$0x9] =	stream.linear.gather @!p0 [hbm4b:s19+s10], $0x50, $0x38;
	[tilespmem:$0x1E400] =	vst v63  }
0xdd: {  	_ =	swait.ge @!p0 [sflag:s14], $0x50  }
0xde: {  	p1 =	por p3, !p2;
	[sflag:s14] =	ssyncset.done @!p0 $0x0  }
0xdf: {  	s0 =	simm.s32 @!p0 $0x2C00;
	s9 =	simm.s32 @!p1 $0x5;
	[sflag:s14] =	ssyncadd.s32 @!p0 $0xFFFFFFB0  }
0xe0: {  	[spmem:s3] =	stream.indirect.scatter.add.f32 @!p0 [tilespmem:s0], [sflag:$0x6], $0x80, s1, s7, $0xb8;
	[tilespmem:$0x1E400] =	vst v63  }
0xe1: {  	_ =	swait.ge @!p1 [sflag:s9], $0x2800  }
0xe2: {  	[sflag:s9] =	ssyncset.done @!p1 $0x0  }
0xe3: {  	s0 =	simm.s32 @!p1 $0x6;
	[sflag:s9] =	ssyncadd.s32 @!p1 $0xFFFFD800  }
0xe4: {  	p0 =	por p2, p2;
	_ =	swait.ge @!p1 [sflag:s0], $0x2800  }
0xe5: {  	s1 =	sshrl.u32 @p2 s22, $0x3;
	s7 =	simm.s32 @p0 $0x9;
	[sflag:s0] =	ssyncset.done @!p1 $0x0  }
0xe6: {  	s1 =	sadd.s32 @p0 s5, s1;
	s9 =	simm.s32 @p0 $0x0;
	[sflag:s0] =	ssyncadd.s32 @!p1 $0xFFFFD800  }
0xe7: {  	[tilespmem:s9], [sflag:$0x9] =	stream.linear.gather @p0 [hbm4b:s1+s9], $0x50, $0x38;
	[tilespmem:$0x1E400] =	vst v63  }
0xe8: {  	_ =	swait.ge @p0 [sflag:s7], $0x50  }
0xe9: {  	[sflag:s7] =	ssyncset.done @p0 $0x0  }
0xea: {  	s0 =	simm.s32 @p0 $0x50;
	s1 =	simm.s32 @p0 $0x400;
	[sflag:s7] =	ssyncadd.s32 @p0 $0xFFFFFFB0  }
0xeb: {  	[tilespmem:s1], [sflag:$0x1] =	stream.indirect.gather @p0 [hbm4b:s2+s0], $0x80, s9, s0, $0xb8;
	[tilespmem:$0x1E400] =	vst v63  }
0xec: {  	s1 =	simm.s32 @p0 $0x80  }
0xed: {  	[tilespmem:s1], [sflag:$0x9] =	stream.linear.gather @p0 [hbm4b:s18+s9], $0x50, $0x38;
	[tilespmem:$0x1E400] =	vst v63  }
0xee: {  	_ =	swait.ge @p0 [sflag:s7], $0x50  }
0xef: {  	[sflag:s7] =	ssyncset.done @p0 $0x0  }
0xf0: {  	s10 =	simm.s32 @p0 $0x2C00;
	[sflag:s7] =	ssyncadd.s32 @p0 $0xFFFFFFB0  }
0xf1: {  	[tilespmem:s10], [sflag:$0x2] =	stream.indirect.gather @p0 [hbm4b:s2+s0], $0x80, s1, s0, $0xb8;
	[tilespmem:$0x1E400] =	vst v63  }
0xf2: {  	s1 =	simm.s32 @p0 $0x3  }
0xf3: {  	_ =	swait.ge @p0 [sflag:s1], $0x2800  }
0xf4: {  	[sflag:s1] =	ssyncset.done @p0 $0x0  }
0xf5: {  	s10 =	simm.s32 @p0 $0x300;
	[sflag:s1] =	ssyncadd.s32 @p0 $0xFFFFD800  }
0xf6: {  	[tilespmem:s10], [sflag:$0x9] =	stream.linear.gather @p0 [hbm4b:s17+s9], $0x50, $0x38;
	[tilespmem:$0x1E400] =	vst v63  }
0xf7: {  	_ =	swait.ge @p0 [sflag:s7], $0x50  }
0xf8: {  	[sflag:s7] =	ssyncset.done @p0 $0x0  }
0xf9: {  	s1 =	simm.s32 @p0 $0x5400;
	[sflag:s7] =	ssyncadd.s32 @p0 $0xFFFFFFB0  }
0xfa: {  	[spmem:s3] =	stream.indirect.scatter.add.f32 @p0 [tilespmem:s1], [sflag:$0x7], $0x80, s10, s0, $0xb8;
	[tilespmem:$0x1E400] =	vst v63  }
0xfb: {  	s1 =	simm.s32 @p0 $0x4  }
0xfc: {  	_ =	swait.ge @p0 [sflag:s1], $0x2800  }
0xfd: {  	[sflag:s1] =	ssyncset.done @p0 $0x0  }
0xfe: {  	[sflag:s1] =	ssyncadd.s32 @p0 $0xFFFFD800;
	s1 =	simm.s32 @p0 $0x380  }
0xff: {  	[tilespmem:s1], [sflag:$0x9] =	stream.linear.gather @p0 [hbm4b:s16+s9], $0x50, $0x38;
	[tilespmem:$0x1E400] =	vst v63  }
0x100: {  	p1 =	slt.u32 @!p0 s21, $0x3;
	_ =	swait.ge @p0 [sflag:s7], $0x50  }
0x101: {  	p1 =	por p1, p0;
	[sflag:s7] =	ssyncset.done @p0 $0x0  }
0x102: {  	s9 =	simm.s32 @p0 $0x7C00;
	[sflag:s7] =	ssyncadd.s32 @p0 $0xFFFFFFB0;
	s7 =	simm.s32 @!p1 $0x7  }
0x103: {  	[spmem:s3] =	stream.indirect.scatter.add.f32 @p0 [tilespmem:s9], [sflag:$0x8], $0x80, s1, s0, $0xb8;
	[tilespmem:$0x1E400] =	vst v63  }
0x104: {  	_ =	swait.ge @!p1 [sflag:s7], $0x2800  }
0x105: {  	[sflag:s7] =	ssyncset.done @!p1 $0x0  }
0x106: {  	s0 =	simm.s32 @!p1 $0x8;
	[sflag:s7] =	ssyncadd.s32 @!p1 $0xFFFFD800  }
0x107: {  	_ =	swait.ge @!p1 [sflag:s0], $0x2800  }
0x108: {  	s1 =	simm.s32 @!p0 $0x100;
	s9 =	simm.s32 @!p0 $0x0;
	[sflag:s0] =	ssyncset.done @!p1 $0x0  }
0x109: {  	s7 =	simm.s32 @!p0 $0x9;
	[sflag:s0] =	ssyncadd.s32 @!p1 $0xFFFFD800;
	s0 =	sadd.s32 @!p0 s5, s23  }
0x10a: {  	[tilespmem:s1], [sflag:$0x9] =	stream.linear.gather @!p0 [hbm4b:s0+s9], $0x50, $0x38;
	[tilespmem:$0x1E400] =	vst v63  }
0x10b: {  	_ =	swait.ge @!p0 [sflag:s7], $0x50  }
0x10c: {  	[sflag:s7] =	ssyncset.done @!p0 $0x0  }
0x10d: {  	s10 =	simm.s32 @!p0 $0x5400;
	s0 =	simm.s32 @!p0 $0x50;
	[sflag:s7] =	ssyncadd.s32 @!p0 $0xFFFFFFB0  }
0x10e: {  	[tilespmem:s10], [sflag:$0x3] =	stream.indirect.gather @!p0 [hbm4b:s2+s0], $0x80, s1, s0, $0xb8;
	[tilespmem:$0x1E400] =	vst v63  }
0x10f: {  	s1 =	simm.s32 @!p0 $0x180  }
0x110: {  	[tilespmem:s1], [sflag:$0x9] =	stream.linear.gather @!p0 [hbm4b:s18+s9], $0x50, $0x38;
	[tilespmem:$0x1E400] =	vst v63  }
0x111: {  	_ =	swait.ge @!p0 [sflag:s7], $0x50  }
0x112: {  	[sflag:s7] =	ssyncset.done @!p0 $0x0  }
0x113: {  	s10 =	simm.s32 @!p0 $0x7C00;
	[sflag:s7] =	ssyncadd.s32 @!p0 $0xFFFFFFB0  }
0x114: {  	[tilespmem:s10], [sflag:$0x4] =	stream.indirect.gather @!p0 [hbm4b:s2+s0], $0x80, s1, s0, $0xb8;
	[tilespmem:$0x1E400] =	vst v63  }
0x115: {  	s1 =	simm.s32 @!p0 $0x1  }
0x116: {  	_ =	swait.ge @!p0 [sflag:s1], $0x2800  }
0x117: {  	[sflag:s1] =	ssyncset.done @!p0 $0x0  }
0x118: {  	[sflag:s1] =	ssyncadd.s32 @!p0 $0xFFFFD800;
	s1 =	simm.s32 @!p0 $0x200  }
0x119: {  	[tilespmem:s1], [sflag:$0x9] =	stream.linear.gather @!p0 [hbm4b:s17+s9], $0x50, $0x38;
	[tilespmem:$0x1E400] =	vst v63  }
0x11a: {  	_ =	swait.ge @!p0 [sflag:s7], $0x50  }
0x11b: {  	[sflag:s7] =	ssyncset.done @!p0 $0x0  }
0x11c: {  	s10 =	simm.s32 @!p0 $0x400;
	[sflag:s7] =	ssyncadd.s32 @!p0 $0xFFFFFFB0  }
0x11d: {  	[spmem:s3] =	stream.indirect.scatter.add.f32 @!p0 [tilespmem:s10], [sflag:$0x5], $0x80, s1, s0, $0xb8;
	[tilespmem:$0x1E400] =	vst v63  }
0x11e: {  	s1 =	simm.s32 @!p0 $0x2  }
0x11f: {  	_ =	swait.ge @!p0 [sflag:s1], $0x2800  }
0x120: {  	[sflag:s1] =	ssyncset.done @!p0 $0x0  }
0x121: {  	[sflag:s1] =	ssyncadd.s32 @!p0 $0xFFFFD800;
	s1 =	simm.s32 @!p0 $0x280  }
0x122: {  	[tilespmem:s1], [sflag:$0x9] =	stream.linear.gather @!p0 [hbm4b:s16+s9], $0x50, $0x38;
	[tilespmem:$0x1E400] =	vst v63  }
0x123: {  	_ =	swait.ge @!p0 [sflag:s7], $0x50  }
0x124: {  	[sflag:s7] =	ssyncset.done @!p0 $0x0  }
0x125: {  	s21 =	simm.s32 $0x3;
	[sflag:s7] =	ssyncadd.s32 @!p0 $0xFFFFFFB0;
	s7 =	simm.s32 @!p0 $0x2C00  }
0x126: {  	[spmem:s3] =	stream.indirect.scatter.add.f32 @!p0 [tilespmem:s7], [sflag:$0x6], $0x80, s1, s0, $0xb8;
	[tilespmem:$0x1E400] =	vst v63  }
0x127: {  	_ =	swait.ge [sflag:s21], $0x2800  }
0x128: {  	[sflag:s21] =	ssyncset.done $0x0  }
0x129: {  	s23 =	simm.s32 $0x300;
	s22 =	rddreg [dreg:$0xe];
	[sflag:s21] =	ssyncadd.s32 $0xFFFFD800  }
0x12a: {  	[tilespmem:s23], [sflag:$0x9] =	stream.linear.gather [hbm4b:s22+s4], $0x50, $0x38;
	[tilespmem:$0x1E400] =	vst v63  }
0x12b: {  	_ =	swait.ge [sflag:s28], $0x50  }
0x12c: {  	[sflag:s28] =	ssyncset.done $0x0  }
0x12d: {  	s30 =	simm.s32 $0x5400;
	s7 =	simm.s32 $0x4;
	[sflag:s28] =	ssyncadd.s32 $0xFFFFFFB0  }
0x12e: {  	[spmem:s3] =	stream.indirect.scatter.add.f32 [tilespmem:s30], [sflag:$0x7], $0x80, s23, s29, $0xb8;
	[tilespmem:$0x1E400] =	vst v63  }
0x12f: {  	_ =	swait.ge [sflag:s7], $0x2800  }
0x130: {  	[sflag:s7] =	ssyncset.done $0x0  }
0x131: {  	s10 =	simm.s32 $0x380;
	s9 =	rddreg [dreg:$0xf];
	[sflag:s7] =	ssyncadd.s32 $0xFFFFD800  }
0x132: {  	[tilespmem:s10], [sflag:$0x9] =	stream.linear.gather [hbm4b:s9+s4], $0x50, $0x38;
	[tilespmem:$0x1E400] =	vst v63  }
0x133: {  	_ =	swait.ge [sflag:s28], $0x50  }
0x134: {  	[sflag:s28] =	ssyncset.done $0x0  }
0x135: {  	s11 =	simm.s32 $0x7C00;
	[sflag:s28] =	ssyncadd.s32 $0xFFFFFFB0  }
0x136: {  	[spmem:s3] =	stream.indirect.scatter.add.f32 [tilespmem:s11], [sflag:$0x8], $0x80, s10, s29, $0xb8;
	[tilespmem:$0x1E400] =	vst v63  }
0x137: {  	_ =	swait.ge [sflag:s8], $0x2800  }
0x138: {  	[sflag:s8] =	ssyncset.done $0x0  }
0x139: {  	s12 =	rddreg [dreg:$0x11];
	[sflag:s8] =	ssyncadd.s32 $0xFFFFD800  }
0x13a: {  	[tilespmem:s4], [sflag:$0x9] =	stream.linear.gather [hbm4b:s12+s4], $0x50, $0x38;
	[tilespmem:$0x1E400] =	vst v63  }
0x13b: {  	_ =	swait.ge [sflag:s28], $0x50  }
0x13c: {  	[sflag:s28] =	ssyncset.done $0x0  }
0x13d: {  	s14 =	simm.s32 $0x1;
	[sflag:s28] =	ssyncadd.s32 $0xFFFFFFB0  }
0x13e: {  	[tilespmem:s26], [sflag:$0x1] =	stream.indirect.gather [hbm4b:s2+s29], $0x80, s4, s29, $0xb8;
	[tilespmem:$0x1E400] =	vst v63  }
0x13f: {  	_ =	swait.ge [sflag:s14], $0x2800  }
0x140: {  	[sflag:s14] =	ssyncset.done $0x0  }
0x141: {  	s17 =	simm.s32 $0x200;
	s16 =	rddreg [dreg:$0x10];
	[sflag:s14] =	ssyncadd.s32 $0xFFFFD800  }
0x142: {  	[tilespmem:s17], [sflag:$0x9] =	stream.linear.gather [hbm4b:s16+s4], $0x50, $0x38;
	[tilespmem:$0x1E400] =	vst v63  }
0x143: {  	_ =	swait.ge [sflag:s28], $0x50  }
0x144: {  	[sflag:s28] =	ssyncset.done $0x0  }
0x145: {  	[sflag:s28] =	ssyncadd.s32 $0xFFFFFFB0  }
0x146: {  	[spmem:s3] =	stream.indirect.scatter.add.f32 [tilespmem:s26], [sflag:$0x5], $0x80, s17, s29, $0xb8;
	[tilespmem:$0x1E400] =	vst v63  }
0x147: {  	_ =	swait.ge [sflag:s8], $0x2800  }
0x148: {  	[sflag:s8] =	ssyncset.done $0x0  }
0x149: {  	s18 =	simm.s32 $0x6;
	[sflag:s8] =	ssyncadd.s32 $0xFFFFD800  }
0x14a: {  	_ =	swait.ge [sflag:s18], $0x2800  }
0x14b: {  	[sflag:s18] =	ssyncset.done $0x0  }
0x14c: {  	s19 =	simm.s32 $0x7;
	[sflag:s18] =	ssyncadd.s32 $0xFFFFD800  }
0x14d: {  	_ =	swait.ge [sflag:s19], $0x2800  }
0x14e: {  	[sflag:s19] =	ssyncset.done $0x0  }
0x14f: {  	[sflag:s19] =	ssyncadd.s32 $0xFFFFD800  }
0x150: {  	_ =	swait.ge [sflag:s13], $0x2800  }
0x151: {  	[sflag:s13] =	ssyncset.done $0x0  }
0x152: {  	s21 =	stileid.u32;
	[sflag:s13] =	ssyncadd.s32 $0xFFFFD800  }
0x153: {  	s0 =	sshll.u32 s21, $0x6;
	[bflag:$0x0] =	sbarrier.arrive $0xFFFF  }
0x154: {  	s22 =	sshrl.u32 s6, $0x3;
	s0 =	sor.u32 $0x1C09, s0;
	s23 =	rddreg [dreg:$0x12]  }
0x155: {  	[hbm:s23], [sflag:s0] =	dma.local [spmem:s22], $0x2800  }
0x156: {  	_ =	swait.ge [sflag:s28], $0x2800  }
0x157: {  	s15 =	sadd.s32 $0x1, s15;
	s30 =	rddreg [dreg:$0x13]  }
0x158: {  	p0 =	sne.s32 s15, s30  }
.Ltmp2:
0x159: {  	_ = 	snop;
	(pc) =	sbr.rel @p0 .LBB2_1-.Ltmp2, $3  }
0x15a: {  	_ =	sdelay $0x1  }
0x15b: {  	[sflag:s28] =	ssyncset.done $0x0  }
0x15c: {  	[sflag:s28] =	ssyncadd.s32 $0xFFFFD800  }
0x15d: {  	_ =	sfence.sel $0x180000  }
0x15e: {  	[bflag:$0x0] =	sbarrier.arrive $0xFFFF  }
0x15f: {  	_ =	strace $0x90000047  }
0x160: {  	s0 =	stileid.u32;
	[bflag:$0x2] =	sbarrier.arrive $0xFFFF  }
0x161: {  	p0 =	sne.s32 s0, $0x0;
	s0 =	rddreg [dreg:$0x4]  }
0x162: {  	s0 =	sadd.s32 @!p0 $0x100000, s0  }
0x163: {  	[sflag:s0] =	ssyncadd.tile.s32 @!p0 $0x1;
	_ =	shalt  }
.Lfunc_end2:
_tile_overlayer_lowered:
.L_overlay_start_2:
0x164: {  	(tag) =	ssettag $0x2  }
0x165: {  	s0 =	rddreg [dreg:$0x0];
	s2 =	stileid.u32  }
0x166: {  	s1 =	rddreg [dreg:$0x1];
	p0 =	sne.s32 s2, $0x0  }
0x167: {  	s3 =	rddreg [dreg:$0x2];
	[bflag:$0x3] =	sbarrier.arrive $0xFFFF;
	s2 =	simm.s32 @!p0 $0x1C09  }
0x168: {  	[timem:s3], [sflag:s2] =	dma.local @!p0 [hbm:s0], s1  }
0x169: {  	s0 =	simm.s32 @!p0 $0x9  }
0x16a: {  	_ =	swait.ge @!p0 [sflag:s0], s1  }
0x16b: {  	s1 =	ssub.s32 @!p0 $0x0, s1;
	[sflag:s0] =	ssyncset.done @!p0 $0x0  }
0x16c: {  	[sflag:s0] =	ssyncadd.s32 @!p0 s1  }
0x16d: {  	[bflag:$0x3] =	sbarrier.arrive $0xFFFF  }
0x16e: {  	_ =	shalt  }

</sc_bundles>
